<compile_context>
chip_gen: v7x
topology: tpu7x:2x2x1
jax: 0.10.2.dev20260603
libtpu: 0.0.44.dev20260713+nightly
codegen_flags: <defaults>
</compile_context>

<pallas_src>
import functools
import jax
import jax.numpy as jnp
from jax import lax
from jax.experimental import pallas as pl
from jax.experimental.pallas import tpu as pltpu, tpu_sc as plsc

BATCH = 16384
PER_DEV_DIM = 1664
WORLD_SIZE = 4
OUT_DIM = WORLD_SIZE * PER_DEV_DIM

NC, NS = 2, 16
NW = NC * NS
RPW = BATCH // NW
CR = 4
NCH = RPW // CR
D = 4
R = 2

_mesh = plsc.VectorSubcoreMesh(core_axis_name="c", subcore_axis_name="s")


@functools.partial(
    pl.kernel,
    mesh=_mesh,
    out_type=jax.ShapeDtypeStruct((BATCH, OUT_DIM), jnp.float32),
    scratch_types=[
        pltpu.VMEM((D, CR, OUT_DIM), jnp.float32),
        pltpu.SemaphoreType.DMA((D,)),
        pltpu.SemaphoreType.DMA((D,)),
    ],
)
def _sc_merge(t0, t1, t2, t3, out, buf, rsem, wsem):
    wid = lax.axis_index("s") * NC + lax.axis_index("c")
    base = wid * RPW
    ins = (t0, t1, t2, t3)

    def read_copies(ch, slot):
        row = base + ch * CR
        return [
            pltpu.make_async_copy(
                ins[i].at[pl.ds(row, CR), :],
                buf.at[slot, :, pl.ds(i * PER_DEV_DIM, PER_DEV_DIM)],
                rsem.at[slot],
            )
            for i in range(WORLD_SIZE)
        ]

    def write_copy(ch, slot):
        row = base + ch * CR
        return pltpu.make_async_copy(
            buf.at[slot], out.at[pl.ds(row, CR), :], wsem.at[slot]
        )

    for b in range(R):
        for c in read_copies(b, b):
            c.start()

    @pl.loop(0, NCH, step=D)
    def _super(ch0):
        for b in range(D):
            ch = ch0 + b
            for c in read_copies(ch, b):
                c.wait()
            write_copy(ch, b).start()
            ns = (b + R) % D

            @pl.when(ch + R < NCH)
            def _prefetch():
                @pl.when(ch >= D - R)
                def _reclaim():
                    write_copy(0, ns).wait()

                for c in read_copies(ch + R, ns):
                    c.start()

    for b in range(D):
        write_copy(0, b).wait()


def kernel(tensors_0, tensors_1, tensors_2, tensors_3):
    return _sc_merge(tensors_0, tensors_1, tensors_2, tensors_3)

# --- scband reference (transcript-rebuilt; emitter-appended) ---
"""Pipeline reference for scband-pooled-embeddings-all-to-one-11407433138353 (READ-ONLY COPY).

The authoritative reference and input builder live on the scoring server;
editing this copy changes nothing except your own understanding.
"""

import jax, jax.numpy as jnp
import numpy as np

BATCH = 16384
PER_DEV_DIM = 1664
WORLD_SIZE = 4

def setup_inputs(seed: int = 0) -> dict:
    key = jax.random.key(seed)
    ks = jax.random.split(key, WORLD_SIZE)
    inp = {}
    for i in range(WORLD_SIZE):
        inp[f"tensors_{i}"] = jax.random.normal(ks[i], (BATCH, PER_DEV_DIM), dtype=jnp.float32)
    return inp

def reference(tensors_0, tensors_1, tensors_2, tensors_3):
    # fbgemm.merge_pooled_embeddings: concatenates the per-device pooled
    # embedding tensors along the feature (non-batch) dimension after
    # moving them to the target device. Batch dim (size(0)) is preserved.
    tensors = [tensors_0, tensors_1, tensors_2, tensors_3]
    return jnp.concatenate(tensors, axis=1)

if __name__ == "__main__":
    import jax
    _d = setup_inputs()
    print(jax.jit(kernel)(*tuple(_d.values())))

</pallas_src>

<mosaic_0001>
#map = affine_map<(d0, d1) -> (0, 0)>
module attributes {stable_mosaic.version = 14 : i64} {
  func.func @_sc_merge(%arg0: i32, %arg1: i32, %arg2: memref<16384x1664xf32, #tpu.memory_space<hbm>>, %arg3: memref<16384x1664xf32, #tpu.memory_space<hbm>>, %arg4: memref<16384x1664xf32, #tpu.memory_space<hbm>>, %arg5: memref<16384x1664xf32, #tpu.memory_space<hbm>>, %arg6: memref<16384x6656xf32, #tpu.memory_space<hbm>>, %arg7: memref<4x4x6656xf32, #tpu.memory_space<vmem>>, %arg8: memref<4x!tpu.dma_semaphore, #tpu.memory_space<semaphore_mem>>, %arg9: memref<4x!tpu.dma_semaphore, #tpu.memory_space<semaphore_mem>>) attributes {dimension_semantics = [#tpu.dimension_semantics<core_parallel>, #tpu.dimension_semantics<subcore_parallel>], iteration_bounds = array<i64: 2, 16>, scalar_prefetch = 0 : i64, scratch_operands = 3 : i64, tpu.core_type = #tpu.core_type<sc_vector_subcore>, window_params = [{transform_indices = #map}, {transform_indices = #map}, {transform_indices = #map}, {transform_indices = #map}, {transform_indices = #map}]} {
    %mul3A = arith.constant 2 : i32
    %mul3A_0 = arith.muli %arg1, %mul3A : i32
    %add3A = arith.addi %mul3A_0, %arg0 : i32
    %mul3A_1 = arith.constant 512 : i32
    %mul3A_2 = arith.muli %add3A, %mul3A_1 : i32
    %add3A_3 = arith.constant 0 : i32
    %add3A_4 = arith.addi %mul3A_2, %add3A_3 : i32
    %dma_start3A = arith.constant 0 : i32
    %dma_start3A_5 = arith.constant 0 : i32
    %dma_start3A_6 = arith.constant 0 : i32
    %dma_start3A_7 = arith.constant 0 : i32
    %dma_start3A_8 = tpu.memref_slice %arg7[%dma_start3A, %dma_start3A_6, %dma_start3A_7] : memref<4x4x6656xf32, #tpu.memory_space<vmem>> -> memref<1x4x1664xf32, #tpu.memory_space<vmem>>
    %dma_start3A_9 = tpu.memref_squeeze %dma_start3A_8 : memref<1x4x1664xf32, #tpu.memory_space<vmem>> -> memref<4x1664xf32, #tpu.memory_space<vmem>>
    %dma_start3A_10 = arith.constant 0 : i32
    %dma_start3A_11 = tpu.memref_slice %arg2[%add3A_4, %dma_start3A_10] : memref<16384x1664xf32, #tpu.memory_space<hbm>> -> memref<4x1664xf32, #tpu.memory_space<hbm>>
    %dma_start3A_12 = tpu.memref_slice %arg8[%dma_start3A_5] : memref<4x!tpu.dma_semaphore, #tpu.memory_space<semaphore_mem>> -> memref<1x!tpu.dma_semaphore, #tpu.memory_space<semaphore_mem>>
    %dma_start3A_13 = tpu.memref_squeeze %dma_start3A_12 : memref<1x!tpu.dma_semaphore, #tpu.memory_space<semaphore_mem>> -> memref<!tpu.dma_semaphore, #tpu.memory_space<semaphore_mem>>
    %dma_start3A_14 = arith.constant 0 : i32
    %dma_start3A_15 = arith.constant 0 : i32
    %dma_start3A_16 = tpu.memref_slice %arg7[%dma_start3A, %dma_start3A_14, %dma_start3A_15] : memref<4x4x6656xf32, #tpu.memory_space<vmem>> -> memref<1x4x1664xf32, #tpu.memory_space<vmem>>
    %dma_start3A_17 = tpu.memref_squeeze %dma_start3A_16 : memref<1x4x1664xf32, #tpu.memory_space<vmem>> -> memref<4x1664xf32, #tpu.memory_space<vmem>>
    %dma_start3A_18 = arith.constant 0 : i32
    %dma_start3A_19 = tpu.memref_slice %arg2[%add3A_4, %dma_start3A_18] : memref<16384x1664xf32, #tpu.memory_space<hbm>> -> memref<4x1664xf32, #tpu.memory_space<hbm>>
    tpu.enqueue_dma source(%dma_start3A_19 : memref<4x1664xf32, #tpu.memory_space<hbm>>) target(%dma_start3A_17 : memref<4x1664xf32, #tpu.memory_space<vmem>>) target_semaphore(%dma_start3A_13 : memref<!tpu.dma_semaphore, #tpu.memory_space<semaphore_mem>>)
    %dma_start3A_20 = arith.constant 0 : i32
    %dma_start3A_21 = arith.constant 0 : i32
    %dma_start3A_22 = arith.constant 0 : i32
    %dma_start3A_23 = arith.constant 1664 : i32
    %dma_start3A_24 = tpu.memref_slice %arg7[%dma_start3A_20, %dma_start3A_22, %dma_start3A_23] : memref<4x4x6656xf32, #tpu.memory_space<vmem>> -> memref<1x4x1664xf32, #tpu.memory_space<vmem>>
    %dma_start3A_25 = tpu.memref_squeeze %dma_start3A_24 : memref<1x4x1664xf32, #tpu.memory_space<vmem>> -> memref<4x1664xf32, #tpu.memory_space<vmem>>
    %dma_start3A_26 = arith.constant 0 : i32
    %dma_start3A_27 = tpu.memref_slice %arg3[%add3A_4, %dma_start3A_26] : memref<16384x1664xf32, #tpu.memory_space<hbm>> -> memref<4x1664xf32, #tpu.memory_space<hbm>>
    %dma_start3A_28 = tpu.memref_slice %arg8[%dma_start3A_21] : memref<4x!tpu.dma_semaphore, #tpu.memory_space<semaphore_mem>> -> memref<1x!tpu.dma_semaphore, #tpu.memory_space<semaphore_mem>>
    %dma_start3A_29 = tpu.memref_squeeze %dma_start3A_28 : memref<1x!tpu.dma_semaphore, #tpu.memory_space<semaphore_mem>> -> memref<!tpu.dma_semaphore, #tpu.memory_space<semaphore_mem>>
    %dma_start3A_30 = arith.constant 0 : i32
    %dma_start3A_31 = arith.constant 1664 : i32
    %dma_start3A_32 = tpu.memref_slice %arg7[%dma_start3A_20, %dma_start3A_30, %dma_start3A_31] : memref<4x4x6656xf32, #tpu.memory_space<vmem>> -> memref<1x4x1664xf32, #tpu.memory_space<vmem>>
    %dma_start3A_33 = tpu.memref_squeeze %dma_start3A_32 : memref<1x4x1664xf32, #tpu.memory_space<vmem>> -> memref<4x1664xf32, #tpu.memory_space<vmem>>
    %dma_start3A_34 = arith.constant 0 : i32
    %dma_start3A_35 = tpu.memref_slice %arg3[%add3A_4, %dma_start3A_34] : memref<16384x1664xf32, #tpu.memory_space<hbm>> -> memref<4x1664xf32, #tpu.memory_space<hbm>>
    tpu.enqueue_dma source(%dma_start3A_35 : memref<4x1664xf32, #tpu.memory_space<hbm>>) target(%dma_start3A_33 : memref<4x1664xf32, #tpu.memory_space<vmem>>) target_semaphore(%dma_start3A_29 : memref<!tpu.dma_semaphore, #tpu.memory_space<semaphore_mem>>)
    %dma_start3A_36 = arith.constant 0 : i32
    %dma_start3A_37 = arith.constant 0 : i32
    %dma_start3A_38 = arith.constant 0 : i32
    %dma_start3A_39 = arith.constant 3328 : i32
    %dma_start3A_40 = tpu.memref_slice %arg7[%dma_start3A_36, %dma_start3A_38, %dma_start3A_39] : memref<4x4x6656xf32, #tpu.memory_space<vmem>> -> memref<1x4x1664xf32, #tpu.memory_space<vmem>>
    %dma_start3A_41 = tpu.memref_squeeze %dma_start3A_40 : memref<1x4x1664xf32, #tpu.memory_space<vmem>> -> memref<4x1664xf32, #tpu.memory_space<vmem>>
    %dma_start3A_42 = arith.constant 0 : i32
    %dma_start3A_43 = tpu.memref_slice %arg4[%add3A_4, %dma_start3A_42] : memref<16384x1664xf32, #tpu.memory_space<hbm>> -> memref<4x1664xf32, #tpu.memory_space<hbm>>
    %dma_start3A_44 = tpu.memref_slice %arg8[%dma_start3A_37] : memref<4x!tpu.dma_semaphore, #tpu.memory_space<semaphore_mem>> -> memref<1x!tpu.dma_semaphore, #tpu.memory_space<semaphore_mem>>
    %dma_start3A_45 = tpu.memref_squeeze %dma_start3A_44 : memref<1x!tpu.dma_semaphore, #tpu.memory_space<semaphore_mem>> -> memref<!tpu.dma_semaphore, #tpu.memory_space<semaphore_mem>>
    %dma_start3A_46 = arith.constant 0 : i32
    %dma_start3A_47 = arith.constant 3328 : i32
    %dma_start3A_48 = tpu.memref_slice %arg7[%dma_start3A_36, %dma_start3A_46, %dma_start3A_47] : memref<4x4x6656xf32, #tpu.memory_space<vmem>> -> memref<1x4x1664xf32, #tpu.memory_space<vmem>>
    %dma_start3A_49 = tpu.memref_squeeze %dma_start3A_48 : memref<1x4x1664xf32, #tpu.memory_space<vmem>> -> memref<4x1664xf32, #tpu.memory_space<vmem>>
    %dma_start3A_50 = arith.constant 0 : i32
    %dma_start3A_51 = tpu.memref_slice %arg4[%add3A_4, %dma_start3A_50] : memref<16384x1664xf32, #tpu.memory_space<hbm>> -> memref<4x1664xf32, #tpu.memory_space<hbm>>
    tpu.enqueue_dma source(%dma_start3A_51 : memref<4x1664xf32, #tpu.memory_space<hbm>>) target(%dma_start3A_49 : memref<4x1664xf32, #tpu.memory_space<vmem>>) target_semaphore(%dma_start3A_45 : memref<!tpu.dma_semaphore, #tpu.memory_space<semaphore_mem>>)
    %dma_start3A_52 = arith.constant 0 : i32
    %dma_start3A_53 = arith.constant 0 : i32
    %dma_start3A_54 = arith.constant 0 : i32
    %dma_start3A_55 = arith.constant 4992 : i32
    %dma_start3A_56 = tpu.memref_slice %arg7[%dma_start3A_52, %dma_start3A_54, %dma_start3A_55] : memref<4x4x6656xf32, #tpu.memory_space<vmem>> -> memref<1x4x1664xf32, #tpu.memory_space<vmem>>
    %dma_start3A_57 = tpu.memref_squeeze %dma_start3A_56 : memref<1x4x1664xf32, #tpu.memory_space<vmem>> -> memref<4x1664xf32, #tpu.memory_space<vmem>>
    %dma_start3A_58 = arith.constant 0 : i32
    %dma_start3A_59 = tpu.memref_slice %arg5[%add3A_4, %dma_start3A_58] : memref<16384x1664xf32, #tpu.memory_space<hbm>> -> memref<4x1664xf32, #tpu.memory_space<hbm>>
    %dma_start3A_60 = tpu.memref_slice %arg8[%dma_start3A_53] : memref<4x!tpu.dma_semaphore, #tpu.memory_space<semaphore_mem>> -> memref<1x!tpu.dma_semaphore, #tpu.memory_space<semaphore_mem>>
    %dma_start3A_61 = tpu.memref_squeeze %dma_start3A_60 : memref<1x!tpu.dma_semaphore, #tpu.memory_space<semaphore_mem>> -> memref<!tpu.dma_semaphore, #tpu.memory_space<semaphore_mem>>
    %dma_start3A_62 = arith.constant 0 : i32
    %dma_start3A_63 = arith.constant 4992 : i32
    %dma_start3A_64 = tpu.memref_slice %arg7[%dma_start3A_52, %dma_start3A_62, %dma_start3A_63] : memref<4x4x6656xf32, #tpu.memory_space<vmem>> -> memref<1x4x1664xf32, #tpu.memory_space<vmem>>
    %dma_start3A_65 = tpu.memref_squeeze %dma_start3A_64 : memref<1x4x1664xf32, #tpu.memory_space<vmem>> -> memref<4x1664xf32, #tpu.memory_space<vmem>>
    %dma_start3A_66 = arith.constant 0 : i32
    %dma_start3A_67 = tpu.memref_slice %arg5[%add3A_4, %dma_start3A_66] : memref<16384x1664xf32, #tpu.memory_space<hbm>> -> memref<4x1664xf32, #tpu.memory_space<hbm>>
    tpu.enqueue_dma source(%dma_start3A_67 : memref<4x1664xf32, #tpu.memory_space<hbm>>) target(%dma_start3A_65 : memref<4x1664xf32, #tpu.memory_space<vmem>>) target_semaphore(%dma_start3A_61 : memref<!tpu.dma_semaphore, #tpu.memory_space<semaphore_mem>>)
    %add3A_68 = arith.constant 4 : i32
    %add3A_69 = arith.addi %mul3A_2, %add3A_68 : i32
    %dma_start3A_70 = arith.constant 1 : i32
    %dma_start3A_71 = arith.constant 1 : i32
    %dma_start3A_72 = arith.constant 0 : i32
    %dma_start3A_73 = arith.constant 0 : i32
    %dma_start3A_74 = tpu.memref_slice %arg7[%dma_start3A_70, %dma_start3A_72, %dma_start3A_73] : memref<4x4x6656xf32, #tpu.memory_space<vmem>> -> memref<1x4x1664xf32, #tpu.memory_space<vmem>>
    %dma_start3A_75 = tpu.memref_squeeze %dma_start3A_74 : memref<1x4x1664xf32, #tpu.memory_space<vmem>> -> memref<4x1664xf32, #tpu.memory_space<vmem>>
    %dma_start3A_76 = arith.constant 0 : i32
    %dma_start3A_77 = tpu.memref_slice %arg2[%add3A_69, %dma_start3A_76] : memref<16384x1664xf32, #tpu.memory_space<hbm>> -> memref<4x1664xf32, #tpu.memory_space<hbm>>
    %dma_start3A_78 = tpu.memref_slice %arg8[%dma_start3A_71] : memref<4x!tpu.dma_semaphore, #tpu.memory_space<semaphore_mem>> -> memref<1x!tpu.dma_semaphore, #tpu.memory_space<semaphore_mem>>
    %dma_start3A_79 = tpu.memref_squeeze %dma_start3A_78 : memref<1x!tpu.dma_semaphore, #tpu.memory_space<semaphore_mem>> -> memref<!tpu.dma_semaphore, #tpu.memory_space<semaphore_mem>>
    %dma_start3A_80 = arith.constant 0 : i32
    %dma_start3A_81 = arith.constant 0 : i32
    %dma_start3A_82 = tpu.memref_slice %arg7[%dma_start3A_70, %dma_start3A_80, %dma_start3A_81] : memref<4x4x6656xf32, #tpu.memory_space<vmem>> -> memref<1x4x1664xf32, #tpu.memory_space<vmem>>
    %dma_start3A_83 = tpu.memref_squeeze %dma_start3A_82 : memref<1x4x1664xf32, #tpu.memory_space<vmem>> -> memref<4x1664xf32, #tpu.memory_space<vmem>>
    %dma_start3A_84 = arith.constant 0 : i32
    %dma_start3A_85 = tpu.memref_slice %arg2[%add3A_69, %dma_start3A_84] : memref<16384x1664xf32, #tpu.memory_space<hbm>> -> memref<4x1664xf32, #tpu.memory_space<hbm>>
    tpu.enqueue_dma source(%dma_start3A_85 : memref<4x1664xf32, #tpu.memory_space<hbm>>) target(%dma_start3A_83 : memref<4x1664xf32, #tpu.memory_space<vmem>>) target_semaphore(%dma_start3A_79 : memref<!tpu.dma_semaphore, #tpu.memory_space<semaphore_mem>>)
    %dma_start3A_86 = arith.constant 1 : i32
    %dma_start3A_87 = arith.constant 1 : i32
    %dma_start3A_88 = arith.constant 0 : i32
    %dma_start3A_89 = arith.constant 1664 : i32
    %dma_start3A_90 = tpu.memref_slice %arg7[%dma_start3A_86, %dma_start3A_88, %dma_start3A_89] : memref<4x4x6656xf32, #tpu.memory_space<vmem>> -> memref<1x4x1664xf32, #tpu.memory_space<vmem>>
    %dma_start3A_91 = tpu.memref_squeeze %dma_start3A_90 : memref<1x4x1664xf32, #tpu.memory_space<vmem>> -> memref<4x1664xf32, #tpu.memory_space<vmem>>
    %dma_start3A_92 = arith.constant 0 : i32
    %dma_start3A_93 = tpu.memref_slice %arg3[%add3A_69, %dma_start3A_92] : memref<16384x1664xf32, #tpu.memory_space<hbm>> -> memref<4x1664xf32, #tpu.memory_space<hbm>>
    %dma_start3A_94 = tpu.memref_slice %arg8[%dma_start3A_87] : memref<4x!tpu.dma_semaphore, #tpu.memory_space<semaphore_mem>> -> memref<1x!tpu.dma_semaphore, #tpu.memory_space<semaphore_mem>>
    %dma_start3A_95 = tpu.memref_squeeze %dma_start3A_94 : memref<1x!tpu.dma_semaphore, #tpu.memory_space<semaphore_mem>> -> memref<!tpu.dma_semaphore, #tpu.memory_space<semaphore_mem>>
    %dma_start3A_96 = arith.constant 0 : i32
    %dma_start3A_97 = arith.constant 1664 : i32
    %dma_start3A_98 = tpu.memref_slice %arg7[%dma_start3A_86, %dma_start3A_96, %dma_start3A_97] : memref<4x4x6656xf32, #tpu.memory_space<vmem>> -> memref<1x4x1664xf32, #tpu.memory_space<vmem>>
    %dma_start3A_99 = tpu.memref_squeeze %dma_start3A_98 : memref<1x4x1664xf32, #tpu.memory_space<vmem>> -> memref<4x1664xf32, #tpu.memory_space<vmem>>
    %dma_start3A_100 = arith.constant 0 : i32
    %dma_start3A_101 = tpu.memref_slice %arg3[%add3A_69, %dma_start3A_100] : memref<16384x1664xf32, #tpu.memory_space<hbm>> -> memref<4x1664xf32, #tpu.memory_space<hbm>>
    tpu.enqueue_dma source(%dma_start3A_101 : memref<4x1664xf32, #tpu.memory_space<hbm>>) target(%dma_start3A_99 : memref<4x1664xf32, #tpu.memory_space<vmem>>) target_semaphore(%dma_start3A_95 : memref<!tpu.dma_semaphore, #tpu.memory_space<semaphore_mem>>)
    %dma_start3A_102 = arith.constant 1 : i32
    %dma_start3A_103 = arith.constant 1 : i32
    %dma_start3A_104 = arith.constant 0 : i32
    %dma_start3A_105 = arith.constant 3328 : i32
    %dma_start3A_106 = tpu.memref_slice %arg7[%dma_start3A_102, %dma_start3A_104, %dma_start3A_105] : memref<4x4x6656xf32, #tpu.memory_space<vmem>> -> memref<1x4x1664xf32, #tpu.memory_space<vmem>>
    %dma_start3A_107 = tpu.memref_squeeze %dma_start3A_106 : memref<1x4x1664xf32, #tpu.memory_space<vmem>> -> memref<4x1664xf32, #tpu.memory_space<vmem>>
    %dma_start3A_108 = arith.constant 0 : i32
    %dma_start3A_109 = tpu.memref_slice %arg4[%add3A_69, %dma_start3A_108] : memref<16384x1664xf32, #tpu.memory_space<hbm>> -> memref<4x1664xf32, #tpu.memory_space<hbm>>
    %dma_start3A_110 = tpu.memref_slice %arg8[%dma_start3A_103] : memref<4x!tpu.dma_semaphore, #tpu.memory_space<semaphore_mem>> -> memref<1x!tpu.dma_semaphore, #tpu.memory_space<semaphore_mem>>
    %dma_start3A_111 = tpu.memref_squeeze %dma_start3A_110 : memref<1x!tpu.dma_semaphore, #tpu.memory_space<semaphore_mem>> -> memref<!tpu.dma_semaphore, #tpu.memory_space<semaphore_mem>>
    %dma_start3A_112 = arith.constant 0 : i32
    %dma_start3A_113 = arith.constant 3328 : i32
    %dma_start3A_114 = tpu.memref_slice %arg7[%dma_start3A_102, %dma_start3A_112, %dma_start3A_113] : memref<4x4x6656xf32, #tpu.memory_space<vmem>> -> memref<1x4x1664xf32, #tpu.memory_space<vmem>>
    %dma_start3A_115 = tpu.memref_squeeze %dma_start3A_114 : memref<1x4x1664xf32, #tpu.memory_space<vmem>> -> memref<4x1664xf32, #tpu.memory_space<vmem>>
    %dma_start3A_116 = arith.constant 0 : i32
    %dma_start3A_117 = tpu.memref_slice %arg4[%add3A_69, %dma_start3A_116] : memref<16384x1664xf32, #tpu.memory_space<hbm>> -> memref<4x1664xf32, #tpu.memory_space<hbm>>
    tpu.enqueue_dma source(%dma_start3A_117 : memref<4x1664xf32, #tpu.memory_space<hbm>>) target(%dma_start3A_115 : memref<4x1664xf32, #tpu.memory_space<vmem>>) target_semaphore(%dma_start3A_111 : memref<!tpu.dma_semaphore, #tpu.memory_space<semaphore_mem>>)
    %dma_start3A_118 = arith.constant 1 : i32
    %dma_start3A_119 = arith.constant 1 : i32
    %dma_start3A_120 = arith.constant 0 : i32
    %dma_start3A_121 = arith.constant 4992 : i32
    %dma_start3A_122 = tpu.memref_slice %arg7[%dma_start3A_118, %dma_start3A_120, %dma_start3A_121] : memref<4x4x6656xf32, #tpu.memory_space<vmem>> -> memref<1x4x1664xf32, #tpu.memory_space<vmem>>
    %dma_start3A_123 = tpu.memref_squeeze %dma_start3A_122 : memref<1x4x1664xf32, #tpu.memory_space<vmem>> -> memref<4x1664xf32, #tpu.memory_space<vmem>>
    %dma_start3A_124 = arith.constant 0 : i32
    %dma_start3A_125 = tpu.memref_slice %arg5[%add3A_69, %dma_start3A_124] : memref<16384x1664xf32, #tpu.memory_space<hbm>> -> memref<4x1664xf32, #tpu.memory_space<hbm>>
    %dma_start3A_126 = tpu.memref_slice %arg8[%dma_start3A_119] : memref<4x!tpu.dma_semaphore, #tpu.memory_space<semaphore_mem>> -> memref<1x!tpu.dma_semaphore, #tpu.memory_space<semaphore_mem>>
    %dma_start3A_127 = tpu.memref_squeeze %dma_start3A_126 : memref<1x!tpu.dma_semaphore, #tpu.memory_space<semaphore_mem>> -> memref<!tpu.dma_semaphore, #tpu.memory_space<semaphore_mem>>
    %dma_start3A_128 = arith.constant 0 : i32
    %dma_start3A_129 = arith.constant 4992 : i32
    %dma_start3A_130 = tpu.memref_slice %arg7[%dma_start3A_118, %dma_start3A_128, %dma_start3A_129] : memref<4x4x6656xf32, #tpu.memory_space<vmem>> -> memref<1x4x1664xf32, #tpu.memory_space<vmem>>
    %dma_start3A_131 = tpu.memref_squeeze %dma_start3A_130 : memref<1x4x1664xf32, #tpu.memory_space<vmem>> -> memref<4x1664xf32, #tpu.memory_space<vmem>>
    %dma_start3A_132 = arith.constant 0 : i32
    %dma_start3A_133 = tpu.memref_slice %arg5[%add3A_69, %dma_start3A_132] : memref<16384x1664xf32, #tpu.memory_space<hbm>> -> memref<4x1664xf32, #tpu.memory_space<hbm>>
    tpu.enqueue_dma source(%dma_start3A_133 : memref<4x1664xf32, #tpu.memory_space<hbm>>) target(%dma_start3A_131 : memref<4x1664xf32, #tpu.memory_space<vmem>>) target_semaphore(%dma_start3A_127 : memref<!tpu.dma_semaphore, #tpu.memory_space<semaphore_mem>>)
    %scan3A = arith.constant 0 : i32
    %scan3A_134 = arith.constant 32 : i32
    %scan3A_135 = arith.addi %scan3A, %scan3A_134 : i32
    %scan3A_136 = arith.constant 1 : i32
    scf.for %scan3A_209 = %scan3A to %scan3A_135 step %scan3A_136  : i32 {
      %mul3A_210 = arith.constant 4 : i32
      %mul3A_211 = arith.muli %scan3A_209, %mul3A_210 : i32
      %add3A_212 = arith.constant 0 : i32
      %add3A_213 = arith.addi %add3A_212, %mul3A_211 : i32
      %add3A_214 = arith.constant 0 : i32
      %add3A_215 = arith.addi %add3A_213, %add3A_214 : i32
      %mul3A_216 = arith.constant 4 : i32
      %mul3A_217 = arith.muli %add3A_215, %mul3A_216 : i32
      %add3A_218 = arith.addi %mul3A_2, %mul3A_217 : i32
      %dma_wait3A_219 = arith.constant 0 : i32
      %dma_wait3A_220 = arith.constant 0 : i32
      %dma_wait3A_221 = arith.constant 0 : i32
      %dma_wait3A_222 = arith.constant 0 : i32
      %dma_wait3A_223 = tpu.memref_slice %arg7[%dma_wait3A_219, %dma_wait3A_221, %dma_wait3A_222] : memref<4x4x6656xf32, #tpu.memory_space<vmem>> -> memref<1x4x1664xf32, #tpu.memory_space<vmem>>
      %dma_wait3A_224 = tpu.memref_squeeze %dma_wait3A_223 : memref<1x4x1664xf32, #tpu.memory_space<vmem>> -> memref<4x1664xf32, #tpu.memory_space<vmem>>
      %dma_wait3A_225 = arith.constant 0 : i32
      %dma_wait3A_226 = tpu.memref_slice %arg2[%add3A_218, %dma_wait3A_225] : memref<16384x1664xf32, #tpu.memory_space<hbm>> -> memref<4x1664xf32, #tpu.memory_space<hbm>>
      %dma_wait3A_227 = tpu.memref_slice %arg8[%dma_wait3A_220] : memref<4x!tpu.dma_semaphore, #tpu.memory_space<semaphore_mem>> -> memref<1x!tpu.dma_semaphore, #tpu.memory_space<semaphore_mem>>
      %dma_wait3A_228 = tpu.memref_squeeze %dma_wait3A_227 : memref<1x!tpu.dma_semaphore, #tpu.memory_space<semaphore_mem>> -> memref<!tpu.dma_semaphore, #tpu.memory_space<semaphore_mem>>
      %dma_wait3A_229 = arith.constant 0 : i32
      %dma_wait3A_230 = arith.constant 0 : i32
      %dma_wait3A_231 = tpu.memref_slice %arg7[%dma_wait3A_219, %dma_wait3A_229, %dma_wait3A_230] : memref<4x4x6656xf32, #tpu.memory_space<vmem>> -> memref<1x4x1664xf32, #tpu.memory_space<vmem>>
      %dma_wait3A_232 = tpu.memref_squeeze %dma_wait3A_231 : memref<1x4x1664xf32, #tpu.memory_space<vmem>> -> memref<4x1664xf32, #tpu.memory_space<vmem>>
      %dma_wait3A_233 = arith.constant 0 : i32
      %dma_wait3A_234 = tpu.memref_slice %arg2[%add3A_218, %dma_wait3A_233] : memref<16384x1664xf32, #tpu.memory_space<hbm>> -> memref<4x1664xf32, #tpu.memory_space<hbm>>
      tpu.wait_dma2 semaphore(%dma_wait3A_228 : memref<!tpu.dma_semaphore, #tpu.memory_space<semaphore_mem>>) src(%dma_wait3A_234 : memref<4x1664xf32, #tpu.memory_space<hbm>>) dst(%dma_wait3A_232 : memref<4x1664xf32, #tpu.memory_space<vmem>>)
      %dma_wait3A_235 = arith.constant 0 : i32
      %dma_wait3A_236 = arith.constant 0 : i32
      %dma_wait3A_237 = arith.constant 0 : i32
      %dma_wait3A_238 = arith.constant 1664 : i32
      %dma_wait3A_239 = tpu.memref_slice %arg7[%dma_wait3A_235, %dma_wait3A_237, %dma_wait3A_238] : memref<4x4x6656xf32, #tpu.memory_space<vmem>> -> memref<1x4x1664xf32, #tpu.memory_space<vmem>>
      %dma_wait3A_240 = tpu.memref_squeeze %dma_wait3A_239 : memref<1x4x1664xf32, #tpu.memory_space<vmem>> -> memref<4x1664xf32, #tpu.memory_space<vmem>>
      %dma_wait3A_241 = arith.constant 0 : i32
      %dma_wait3A_242 = tpu.memref_slice %arg3[%add3A_218, %dma_wait3A_241] : memref<16384x1664xf32, #tpu.memory_space<hbm>> -> memref<4x1664xf32, #tpu.memory_space<hbm>>
      %dma_wait3A_243 = tpu.memref_slice %arg8[%dma_wait3A_236] : memref<4x!tpu.dma_semaphore, #tpu.memory_space<semaphore_mem>> -> memref<1x!tpu.dma_semaphore, #tpu.memory_space<semaphore_mem>>
      %dma_wait3A_244 = tpu.memref_squeeze %dma_wait3A_243 : memref<1x!tpu.dma_semaphore, #tpu.memory_space<semaphore_mem>> -> memref<!tpu.dma_semaphore, #tpu.memory_space<semaphore_mem>>
      %dma_wait3A_245 = arith.constant 0 : i32
      %dma_wait3A_246 = arith.constant 1664 : i32
      %dma_wait3A_247 = tpu.memref_slice %arg7[%dma_wait3A_235, %dma_wait3A_245, %dma_wait3A_246] : memref<4x4x6656xf32, #tpu.memory_space<vmem>> -> memref<1x4x1664xf32, #tpu.memory_space<vmem>>
      %dma_wait3A_248 = tpu.memref_squeeze %dma_wait3A_247 : memref<1x4x1664xf32, #tpu.memory_space<vmem>> -> memref<4x1664xf32, #tpu.memory_space<vmem>>
      %dma_wait3A_249 = arith.constant 0 : i32
      %dma_wait3A_250 = tpu.memref_slice %arg3[%add3A_218, %dma_wait3A_249] : memref<16384x1664xf32, #tpu.memory_space<hbm>> -> memref<4x1664xf32, #tpu.memory_space<hbm>>
      tpu.wait_dma2 semaphore(%dma_wait3A_244 : memref<!tpu.dma_semaphore, #tpu.memory_space<semaphore_mem>>) src(%dma_wait3A_250 : memref<4x1664xf32, #tpu.memory_space<hbm>>) dst(%dma_wait3A_248 : memref<4x1664xf32, #tpu.memory_space<vmem>>)
      %dma_wait3A_251 = arith.constant 0 : i32
      %dma_wait3A_252 = arith.constant 0 : i32
      %dma_wait3A_253 = arith.constant 0 : i32
      %dma_wait3A_254 = arith.constant 3328 : i32
      %dma_wait3A_255 = tpu.memref_slice %arg7[%dma_wait3A_251, %dma_wait3A_253, %dma_wait3A_254] : memref<4x4x6656xf32, #tpu.memory_space<vmem>> -> memref<1x4x1664xf32, #tpu.memory_space<vmem>>
      %dma_wait3A_256 = tpu.memref_squeeze %dma_wait3A_255 : memref<1x4x1664xf32, #tpu.memory_space<vmem>> -> memref<4x1664xf32, #tpu.memory_space<vmem>>
      %dma_wait3A_257 = arith.constant 0 : i32
      %dma_wait3A_258 = tpu.memref_slice %arg4[%add3A_218, %dma_wait3A_257] : memref<16384x1664xf32, #tpu.memory_space<hbm>> -> memref<4x1664xf32, #tpu.memory_space<hbm>>
      %dma_wait3A_259 = tpu.memref_slice %arg8[%dma_wait3A_252] : memref<4x!tpu.dma_semaphore, #tpu.memory_space<semaphore_mem>> -> memref<1x!tpu.dma_semaphore, #tpu.memory_space<semaphore_mem>>
      %dma_wait3A_260 = tpu.memref_squeeze %dma_wait3A_259 : memref<1x!tpu.dma_semaphore, #tpu.memory_space<semaphore_mem>> -> memref<!tpu.dma_semaphore, #tpu.memory_space<semaphore_mem>>
      %dma_wait3A_261 = arith.constant 0 : i32
      %dma_wait3A_262 = arith.constant 3328 : i32
      %dma_wait3A_263 = tpu.memref_slice %arg7[%dma_wait3A_251, %dma_wait3A_261, %dma_wait3A_262] : memref<4x4x6656xf32, #tpu.memory_space<vmem>> -> memref<1x4x1664xf32, #tpu.memory_space<vmem>>
      %dma_wait3A_264 = tpu.memref_squeeze %dma_wait3A_263 : memref<1x4x1664xf32, #tpu.memory_space<vmem>> -> memref<4x1664xf32, #tpu.memory_space<vmem>>
      %dma_wait3A_265 = arith.constant 0 : i32
      %dma_wait3A_266 = tpu.memref_slice %arg4[%add3A_218, %dma_wait3A_265] : memref<16384x1664xf32, #tpu.memory_space<hbm>> -> memref<4x1664xf32, #tpu.memory_space<hbm>>
      tpu.wait_dma2 semaphore(%dma_wait3A_260 : memref<!tpu.dma_semaphore, #tpu.memory_space<semaphore_mem>>) src(%dma_wait3A_266 : memref<4x1664xf32, #tpu.memory_space<hbm>>) dst(%dma_wait3A_264 : memref<4x1664xf32, #tpu.memory_space<vmem>>)
      %dma_wait3A_267 = arith.constant 0 : i32
      %dma_wait3A_268 = arith.constant 0 : i32
      %dma_wait3A_269 = arith.constant 0 : i32
      %dma_wait3A_270 = arith.constant 4992 : i32
      %dma_wait3A_271 = tpu.memref_slice %arg7[%dma_wait3A_267, %dma_wait3A_269, %dma_wait3A_270] : memref<4x4x6656xf32, #tpu.memory_space<vmem>> -> memref<1x4x1664xf32, #tpu.memory_space<vmem>>
      %dma_wait3A_272 = tpu.memref_squeeze %dma_wait3A_271 : memref<1x4x1664xf32, #tpu.memory_space<vmem>> -> memref<4x1664xf32, #tpu.memory_space<vmem>>
      %dma_wait3A_273 = arith.constant 0 : i32
      %dma_wait3A_274 = tpu.memref_slice %arg5[%add3A_218, %dma_wait3A_273] : memref<16384x1664xf32, #tpu.memory_space<hbm>> -> memref<4x1664xf32, #tpu.memory_space<hbm>>
      %dma_wait3A_275 = tpu.memref_slice %arg8[%dma_wait3A_268] : memref<4x!tpu.dma_semaphore, #tpu.memory_space<semaphore_mem>> -> memref<1x!tpu.dma_semaphore, #tpu.memory_space<semaphore_mem>>
      %dma_wait3A_276 = tpu.memref_squeeze %dma_wait3A_275 : memref<1x!tpu.dma_semaphore, #tpu.memory_space<semaphore_mem>> -> memref<!tpu.dma_semaphore, #tpu.memory_space<semaphore_mem>>
      %dma_wait3A_277 = arith.constant 0 : i32
      %dma_wait3A_278 = arith.constant 4992 : i32
      %dma_wait3A_279 = tpu.memref_slice %arg7[%dma_wait3A_267, %dma_wait3A_277, %dma_wait3A_278] : memref<4x4x6656xf32, #tpu.memory_space<vmem>> -> memref<1x4x1664xf32, #tpu.memory_space<vmem>>
      %dma_wait3A_280 = tpu.memref_squeeze %dma_wait3A_279 : memref<1x4x1664xf32, #tpu.memory_space<vmem>> -> memref<4x1664xf32, #tpu.memory_space<vmem>>
      %dma_wait3A_281 = arith.constant 0 : i32
      %dma_wait3A_282 = tpu.memref_slice %arg5[%add3A_218, %dma_wait3A_281] : memref<16384x1664xf32, #tpu.memory_space<hbm>> -> memref<4x1664xf32, #tpu.memory_space<hbm>>
      tpu.wait_dma2 semaphore(%dma_wait3A_276 : memref<!tpu.dma_semaphore, #tpu.memory_space<semaphore_mem>>) src(%dma_wait3A_282 : memref<4x1664xf32, #tpu.memory_space<hbm>>) dst(%dma_wait3A_280 : memref<4x1664xf32, #tpu.memory_space<vmem>>)
      %mul3A_283 = arith.constant 4 : i32
      %mul3A_284 = arith.muli %add3A_215, %mul3A_283 : i32
      %add3A_285 = arith.addi %mul3A_2, %mul3A_284 : i32
      %dma_start3A_286 = arith.constant 0 : i32
      %dma_start3A_287 = arith.constant 0 : i32
      %dma_start3A_288 = arith.constant 0 : i32
      %dma_start3A_289 = arith.constant 0 : i32
      %dma_start3A_290 = tpu.memref_slice %arg7[%dma_start3A_286, %dma_start3A_288, %dma_start3A_289] : memref<4x4x6656xf32, #tpu.memory_space<vmem>> -> memref<1x4x6656xf32, #tpu.memory_space<vmem>>
      %dma_start3A_291 = tpu.memref_squeeze %dma_start3A_290 : memref<1x4x6656xf32, #tpu.memory_space<vmem>> -> memref<4x6656xf32, #tpu.memory_space<vmem>>
      %dma_start3A_292 = arith.constant 0 : i32
      %dma_start3A_293 = tpu.memref_slice %arg6[%add3A_285, %dma_start3A_292] : memref<16384x6656xf32, #tpu.memory_space<hbm>> -> memref<4x6656xf32, #tpu.memory_space<hbm>>
      %dma_start3A_294 = tpu.memref_slice %arg9[%dma_start3A_287] : memref<4x!tpu.dma_semaphore, #tpu.memory_space<semaphore_mem>> -> memref<1x!tpu.dma_semaphore, #tpu.memory_space<semaphore_mem>>
      %dma_start3A_295 = tpu.memref_squeeze %dma_start3A_294 : memref<1x!tpu.dma_semaphore, #tpu.memory_space<semaphore_mem>> -> memref<!tpu.dma_semaphore, #tpu.memory_space<semaphore_mem>>
      %dma_start3A_296 = arith.constant 0 : i32
      %dma_start3A_297 = tpu.memref_slice %arg6[%add3A_285, %dma_start3A_296] : memref<16384x6656xf32, #tpu.memory_space<hbm>> -> memref<4x6656xf32, #tpu.memory_space<hbm>>
      %dma_start3A_298 = arith.constant 0 : i32
      %dma_start3A_299 = arith.constant 0 : i32
      %dma_start3A_300 = tpu.memref_slice %arg7[%dma_start3A_286, %dma_start3A_298, %dma_start3A_299] : memref<4x4x6656xf32, #tpu.memory_space<vmem>> -> memref<1x4x6656xf32, #tpu.memory_space<vmem>>
      %dma_start3A_301 = tpu.memref_squeeze %dma_start3A_300 : memref<1x4x6656xf32, #tpu.memory_space<vmem>> -> memref<4x6656xf32, #tpu.memory_space<vmem>>
      tpu.enqueue_dma source(%dma_start3A_301 : memref<4x6656xf32, #tpu.memory_space<vmem>>) target(%dma_start3A_297 : memref<4x6656xf32, #tpu.memory_space<hbm>>) target_semaphore(%dma_start3A_295 : memref<!tpu.dma_semaphore, #tpu.memory_space<semaphore_mem>>)
      %add3A_302 = arith.constant 2 : i32
      %add3A_303 = arith.addi %add3A_215, %add3A_302 : i32
      %lt3A = arith.constant 128 : i32
      %lt3A_304 = arith.cmpi slt, %add3A_303, %lt3A : i32
      %convert_element_type3A = arith.extui %lt3A_304 : i1 to i32
      %cond3A = arith.constant 0 : i32
      %cond3A_305 = arith.cmpi ne, %convert_element_type3A, %cond3A : i32
      scf.if %cond3A_305 {
        %ge3A = arith.constant 2 : i32
        %ge3A_591 = arith.cmpi sge, %add3A_215, %ge3A : i32
        %convert_element_type3A_592 = arith.extui %ge3A_591 : i1 to i32
        %cond3A_593 = arith.constant 0 : i32
        %cond3A_594 = arith.cmpi ne, %convert_element_type3A_592, %cond3A_593 : i32
        scf.if %cond3A_594 {
          %add3A_664 = arith.constant 0 : i32
          %add3A_665 = arith.addi %mul3A_2, %add3A_664 : i32
          %dma_wait3A_666 = arith.constant 2 : i32
          %dma_wait3A_667 = arith.constant 2 : i32
          %dma_wait3A_668 = arith.constant 0 : i32
          %dma_wait3A_669 = arith.constant 0 : i32
          %dma_wait3A_670 = tpu.memref_slice %arg7[%dma_wait3A_666, %dma_wait3A_668, %dma_wait3A_669] : memref<4x4x6656xf32, #tpu.memory_space<vmem>> -> memref<1x4x6656xf32, #tpu.memory_space<vmem>>
          %dma_wait3A_671 = tpu.memref_squeeze %dma_wait3A_670 : memref<1x4x6656xf32, #tpu.memory_space<vmem>> -> memref<4x6656xf32, #tpu.memory_space<vmem>>
          %dma_wait3A_672 = arith.constant 0 : i32
          %dma_wait3A_673 = tpu.memref_slice %arg6[%add3A_665, %dma_wait3A_672] : memref<16384x6656xf32, #tpu.memory_space<hbm>> -> memref<4x6656xf32, #tpu.memory_space<hbm>>
          %dma_wait3A_674 = tpu.memref_slice %arg9[%dma_wait3A_667] : memref<4x!tpu.dma_semaphore, #tpu.memory_space<semaphore_mem>> -> memref<1x!tpu.dma_semaphore, #tpu.memory_space<semaphore_mem>>
          %dma_wait3A_675 = tpu.memref_squeeze %dma_wait3A_674 : memref<1x!tpu.dma_semaphore, #tpu.memory_space<semaphore_mem>> -> memref<!tpu.dma_semaphore, #tpu.memory_space<semaphore_mem>>
          %dma_wait3A_676 = arith.constant 0 : i32
          %dma_wait3A_677 = tpu.memref_slice %arg6[%add3A_665, %dma_wait3A_676] : memref<16384x6656xf32, #tpu.memory_space<hbm>> -> memref<4x6656xf32, #tpu.memory_space<hbm>>
          %dma_wait3A_678 = arith.constant 0 : i32
          %dma_wait3A_679 = arith.constant 0 : i32
          %dma_wait3A_680 = tpu.memref_slice %arg7[%dma_wait3A_666, %dma_wait3A_678, %dma_wait3A_679] : memref<4x4x6656xf32, #tpu.memory_space<vmem>> -> memref<1x4x6656xf32, #tpu.memory_space<vmem>>
          %dma_wait3A_681 = tpu.memref_squeeze %dma_wait3A_680 : memref<1x4x6656xf32, #tpu.memory_space<vmem>> -> memref<4x6656xf32, #tpu.memory_space<vmem>>
          tpu.wait_dma2 semaphore(%dma_wait3A_675 : memref<!tpu.dma_semaphore, #tpu.memory_space<semaphore_mem>>) src(%dma_wait3A_681 : memref<4x6656xf32, #tpu.memory_space<vmem>>) dst(%dma_wait3A_677 : memref<4x6656xf32, #tpu.memory_space<hbm>>)
        } else {
        }
        %add3A_595 = arith.constant 2 : i32
        %add3A_596 = arith.addi %add3A_215, %add3A_595 : i32
        %mul3A_597 = arith.constant 4 : i32
        %mul3A_598 = arith.muli %add3A_596, %mul3A_597 : i32
        %add3A_599 = arith.addi %mul3A_2, %mul3A_598 : i32
        %dma_start3A_600 = arith.constant 2 : i32
        %dma_start3A_601 = arith.constant 2 : i32
        %dma_start3A_602 = arith.constant 0 : i32
        %dma_start3A_603 = arith.constant 0 : i32
        %dma_start3A_604 = tpu.memref_slice %arg7[%dma_start3A_600, %dma_start3A_602, %dma_start3A_603] : memref<4x4x6656xf32, #tpu.memory_space<vmem>> -> memref<1x4x1664xf32, #tpu.memory_space<vmem>>
        %dma_start3A_605 = tpu.memref_squeeze %dma_start3A_604 : memref<1x4x1664xf32, #tpu.memory_space<vmem>> -> memref<4x1664xf32, #tpu.memory_space<vmem>>
        %dma_start3A_606 = arith.constant 0 : i32
        %dma_start3A_607 = tpu.memref_slice %arg2[%add3A_599, %dma_start3A_606] : memref<16384x1664xf32, #tpu.memory_space<hbm>> -> memref<4x1664xf32, #tpu.memory_space<hbm>>
        %dma_start3A_608 = tpu.memref_slice %arg8[%dma_start3A_601] : memref<4x!tpu.dma_semaphore, #tpu.memory_space<semaphore_mem>> -> memref<1x!tpu.dma_semaphore, #tpu.memory_space<semaphore_mem>>
        %dma_start3A_609 = tpu.memref_squeeze %dma_start3A_608 : memref<1x!tpu.dma_semaphore, #tpu.memory_space<semaphore_mem>> -> memref<!tpu.dma_semaphore, #tpu.memory_space<semaphore_mem>>
        %dma_start3A_610 = arith.constant 0 : i32
        %dma_start3A_611 = arith.constant 0 : i32
        %dma_start3A_612 = tpu.memref_slice %arg7[%dma_start3A_600, %dma_start3A_610, %dma_start3A_611] : memref<4x4x6656xf32, #tpu.memory_space<vmem>> -> memref<1x4x1664xf32, #tpu.memory_space<vmem>>
        %dma_start3A_613 = tpu.memref_squeeze %dma_start3A_612 : memref<1x4x1664xf32, #tpu.memory_space<vmem>> -> memref<4x1664xf32, #tpu.memory_space<vmem>>
        %dma_start3A_614 = arith.constant 0 : i32
        %dma_start3A_615 = tpu.memref_slice %arg2[%add3A_599, %dma_start3A_614] : memref<16384x1664xf32, #tpu.memory_space<hbm>> -> memref<4x1664xf32, #tpu.memory_space<hbm>>
        tpu.enqueue_dma source(%dma_start3A_615 : memref<4x1664xf32, #tpu.memory_space<hbm>>) target(%dma_start3A_613 : memref<4x1664xf32, #tpu.memory_space<vmem>>) target_semaphore(%dma_start3A_609 : memref<!tpu.dma_semaphore, #tpu.memory_space<semaphore_mem>>)
        %dma_start3A_616 = arith.constant 2 : i32
        %dma_start3A_617 = arith.constant 2 : i32
        %dma_start3A_618 = arith.constant 0 : i32
        %dma_start3A_619 = arith.constant 1664 : i32
        %dma_start3A_620 = tpu.memref_slice %arg7[%dma_start3A_616, %dma_start3A_618, %dma_start3A_619] : memref<4x4x6656xf32, #tpu.memory_space<vmem>> -> memref<1x4x1664xf32, #tpu.memory_space<vmem>>
        %dma_start3A_621 = tpu.memref_squeeze %dma_start3A_620 : memref<1x4x1664xf32, #tpu.memory_space<vmem>> -> memref<4x1664xf32, #tpu.memory_space<vmem>>
        %dma_start3A_622 = arith.constant 0 : i32
        %dma_start3A_623 = tpu.memref_slice %arg3[%add3A_599, %dma_start3A_622] : memref<16384x1664xf32, #tpu.memory_space<hbm>> -> memref<4x1664xf32, #tpu.memory_space<hbm>>
        %dma_start3A_624 = tpu.memref_slice %arg8[%dma_start3A_617] : memref<4x!tpu.dma_semaphore, #tpu.memory_space<semaphore_mem>> -> memref<1x!tpu.dma_semaphore, #tpu.memory_space<semaphore_mem>>
        %dma_start3A_625 = tpu.memref_squeeze %dma_start3A_624 : memref<1x!tpu.dma_semaphore, #tpu.memory_space<semaphore_mem>> -> memref<!tpu.dma_semaphore, #tpu.memory_space<semaphore_mem>>
        %dma_start3A_626 = arith.constant 0 : i32
        %dma_start3A_627 = arith.constant 1664 : i32
        %dma_start3A_628 = tpu.memref_slice %arg7[%dma_start3A_616, %dma_start3A_626, %dma_start3A_627] : memref<4x4x6656xf32, #tpu.memory_space<vmem>> -> memref<1x4x1664xf32, #tpu.memory_space<vmem>>
        %dma_start3A_629 = tpu.memref_squeeze %dma_start3A_628 : memref<1x4x1664xf32, #tpu.memory_space<vmem>> -> memref<4x1664xf32, #tpu.memory_space<vmem>>
        %dma_start3A_630 = arith.constant 0 : i32
        %dma_start3A_631 = tpu.memref_slice %arg3[%add3A_599, %dma_start3A_630] : memref<16384x1664xf32, #tpu.memory_space<hbm>> -> memref<4x1664xf32, #tpu.memory_space<hbm>>
        tpu.enqueue_dma source(%dma_start3A_631 : memref<4x1664xf32, #tpu.memory_space<hbm>>) target(%dma_start3A_629 : memref<4x1664xf32, #tpu.memory_space<vmem>>) target_semaphore(%dma_start3A_625 : memref<!tpu.dma_semaphore, #tpu.memory_space<semaphore_mem>>)
        %dma_start3A_632 = arith.constant 2 : i32
        %dma_start3A_633 = arith.constant 2 : i32
        %dma_start3A_634 = arith.constant 0 : i32
        %dma_start3A_635 = arith.constant 3328 : i32
        %dma_start3A_636 = tpu.memref_slice %arg7[%dma_start3A_632, %dma_start3A_634, %dma_start3A_635] : memref<4x4x6656xf32, #tpu.memory_space<vmem>> -> memref<1x4x1664xf32, #tpu.memory_space<vmem>>
        %dma_start3A_637 = tpu.memref_squeeze %dma_start3A_636 : memref<1x4x1664xf32, #tpu.memory_space<vmem>> -> memref<4x1664xf32, #tpu.memory_space<vmem>>
        %dma_start3A_638 = arith.constant 0 : i32
        %dma_start3A_639 = tpu.memref_slice %arg4[%add3A_599, %dma_start3A_638] : memref<16384x1664xf32, #tpu.memory_space<hbm>> -> memref<4x1664xf32, #tpu.memory_space<hbm>>
        %dma_start3A_640 = tpu.memref_slice %arg8[%dma_start3A_633] : memref<4x!tpu.dma_semaphore, #tpu.memory_space<semaphore_mem>> -> memref<1x!tpu.dma_semaphore, #tpu.memory_space<semaphore_mem>>
        %dma_start3A_641 = tpu.memref_squeeze %dma_start3A_640 : memref<1x!tpu.dma_semaphore, #tpu.memory_space<semaphore_mem>> -> memref<!tpu.dma_semaphore, #tpu.memory_space<semaphore_mem>>
        %dma_start3A_642 = arith.constant 0 : i32
        %dma_start3A_643 = arith.constant 3328 : i32
        %dma_start3A_644 = tpu.memref_slice %arg7[%dma_start3A_632, %dma_start3A_642, %dma_start3A_643] : memref<4x4x6656xf32, #tpu.memory_space<vmem>> -> memref<1x4x1664xf32, #tpu.memory_space<vmem>>
        %dma_start3A_645 = tpu.memref_squeeze %dma_start3A_644 : memref<1x4x1664xf32, #tpu.memory_space<vmem>> -> memref<4x1664xf32, #tpu.memory_space<vmem>>
        %dma_start3A_646 = arith.constant 0 : i32
        %dma_start3A_647 = tpu.memref_slice %arg4[%add3A_599, %dma_start3A_646] : memref<16384x1664xf32, #tpu.memory_space<hbm>> -> memref<4x1664xf32, #tpu.memory_space<hbm>>
        tpu.enqueue_dma source(%dma_start3A_647 : memref<4x1664xf32, #tpu.memory_space<hbm>>) target(%dma_start3A_645 : memref<4x1664xf32, #tpu.memory_space<vmem>>) target_semaphore(%dma_start3A_641 : memref<!tpu.dma_semaphore, #tpu.memory_space<semaphore_mem>>)
        %dma_start3A_648 = arith.constant 2 : i32
        %dma_start3A_649 = arith.constant 2 : i32
        %dma_start3A_650 = arith.constant 0 : i32
        %dma_start3A_651 = arith.constant 4992 : i32
        %dma_start3A_652 = tpu.memref_slice %arg7[%dma_start3A_648, %dma_start3A_650, %dma_start3A_651] : memref<4x4x6656xf32, #tpu.memory_space<vmem>> -> memref<1x4x1664xf32, #tpu.memory_space<vmem>>
        %dma_start3A_653 = tpu.memref_squeeze %dma_start3A_652 : memref<1x4x1664xf32, #tpu.memory_space<vmem>> -> memref<4x1664xf32, #tpu.memory_space<vmem>>
        %dma_start3A_654 = arith.constant 0 : i32
        %dma_start3A_655 = tpu.memref_slice %arg5[%add3A_599, %dma_start3A_654] : memref<16384x1664xf32, #tpu.memory_space<hbm>> -> memref<4x1664xf32, #tpu.memory_space<hbm>>
        %dma_start3A_656 = tpu.memref_slice %arg8[%dma_start3A_649] : memref<4x!tpu.dma_semaphore, #tpu.memory_space<semaphore_mem>> -> memref<1x!tpu.dma_semaphore, #tpu.memory_space<semaphore_mem>>
        %dma_start3A_657 = tpu.memref_squeeze %dma_start3A_656 : memref<1x!tpu.dma_semaphore, #tpu.memory_space<semaphore_mem>> -> memref<!tpu.dma_semaphore, #tpu.memory_space<semaphore_mem>>
        %dma_start3A_658 = arith.constant 0 : i32
        %dma_start3A_659 = arith.constant 4992 : i32
        %dma_start3A_660 = tpu.memref_slice %arg7[%dma_start3A_648, %dma_start3A_658, %dma_start3A_659] : memref<4x4x6656xf32, #tpu.memory_space<vmem>> -> memref<1x4x1664xf32, #tpu.memory_space<vmem>>
        %dma_start3A_661 = tpu.memref_squeeze %dma_start3A_660 : memref<1x4x1664xf32, #tpu.memory_space<vmem>> -> memref<4x1664xf32, #tpu.memory_space<vmem>>
        %dma_start3A_662 = arith.constant 0 : i32
        %dma_start3A_663 = tpu.memref_slice %arg5[%add3A_599, %dma_start3A_662] : memref<16384x1664xf32, #tpu.memory_space<hbm>> -> memref<4x1664xf32, #tpu.memory_space<hbm>>
        tpu.enqueue_dma source(%dma_start3A_663 : memref<4x1664xf32, #tpu.memory_space<hbm>>) target(%dma_start3A_661 : memref<4x1664xf32, #tpu.memory_space<vmem>>) target_semaphore(%dma_start3A_657 : memref<!tpu.dma_semaphore, #tpu.memory_space<semaphore_mem>>)
      } else {
      }
      %add3A_306 = arith.constant 1 : i32
      %add3A_307 = arith.addi %add3A_213, %add3A_306 : i32
      %mul3A_308 = arith.constant 4 : i32
      %mul3A_309 = arith.muli %add3A_307, %mul3A_308 : i32
      %add3A_310 = arith.addi %mul3A_2, %mul3A_309 : i32
      %dma_wait3A_311 = arith.constant 1 : i32
      %dma_wait3A_312 = arith.constant 1 : i32
      %dma_wait3A_313 = arith.constant 0 : i32
      %dma_wait3A_314 = arith.constant 0 : i32
      %dma_wait3A_315 = tpu.memref_slice %arg7[%dma_wait3A_311, %dma_wait3A_313, %dma_wait3A_314] : memref<4x4x6656xf32, #tpu.memory_space<vmem>> -> memref<1x4x1664xf32, #tpu.memory_space<vmem>>
      %dma_wait3A_316 = tpu.memref_squeeze %dma_wait3A_315 : memref<1x4x1664xf32, #tpu.memory_space<vmem>> -> memref<4x1664xf32, #tpu.memory_space<vmem>>
      %dma_wait3A_317 = arith.constant 0 : i32
      %dma_wait3A_318 = tpu.memref_slice %arg2[%add3A_310, %dma_wait3A_317] : memref<16384x1664xf32, #tpu.memory_space<hbm>> -> memref<4x1664xf32, #tpu.memory_space<hbm>>
      %dma_wait3A_319 = tpu.memref_slice %arg8[%dma_wait3A_312] : memref<4x!tpu.dma_semaphore, #tpu.memory_space<semaphore_mem>> -> memref<1x!tpu.dma_semaphore, #tpu.memory_space<semaphore_mem>>
      %dma_wait3A_320 = tpu.memref_squeeze %dma_wait3A_319 : memref<1x!tpu.dma_semaphore, #tpu.memory_space<semaphore_mem>> -> memref<!tpu.dma_semaphore, #tpu.memory_space<semaphore_mem>>
      %dma_wait3A_321 = arith.constant 0 : i32
      %dma_wait3A_322 = arith.constant 0 : i32
      %dma_wait3A_323 = tpu.memref_slice %arg7[%dma_wait3A_311, %dma_wait3A_321, %dma_wait3A_322] : memref<4x4x6656xf32, #tpu.memory_space<vmem>> -> memref<1x4x1664xf32, #tpu.memory_space<vmem>>
      %dma_wait3A_324 = tpu.memref_squeeze %dma_wait3A_323 : memref<1x4x1664xf32, #tpu.memory_space<vmem>> -> memref<4x1664xf32, #tpu.memory_space<vmem>>
      %dma_wait3A_325 = arith.constant 0 : i32
      %dma_wait3A_326 = tpu.memref_slice %arg2[%add3A_310, %dma_wait3A_325] : memref<16384x1664xf32, #tpu.memory_space<hbm>> -> memref<4x1664xf32, #tpu.memory_space<hbm>>
      tpu.wait_dma2 semaphore(%dma_wait3A_320 : memref<!tpu.dma_semaphore, #tpu.memory_space<semaphore_mem>>) src(%dma_wait3A_326 : memref<4x1664xf32, #tpu.memory_space<hbm>>) dst(%dma_wait3A_324 : memref<4x1664xf32, #tpu.memory_space<vmem>>)
      %dma_wait3A_327 = arith.constant 1 : i32
      %dma_wait3A_328 = arith.constant 1 : i32
      %dma_wait3A_329 = arith.constant 0 : i32
      %dma_wait3A_330 = arith.constant 1664 : i32
      %dma_wait3A_331 = tpu.memref_slice %arg7[%dma_wait3A_327, %dma_wait3A_329, %dma_wait3A_330] : memref<4x4x6656xf32, #tpu.memory_space<vmem>> -> memref<1x4x1664xf32, #tpu.memory_space<vmem>>
      %dma_wait3A_332 = tpu.memref_squeeze %dma_wait3A_331 : memref<1x4x1664xf32, #tpu.memory_space<vmem>> -> memref<4x1664xf32, #tpu.memory_space<vmem>>
      %dma_wait3A_333 = arith.constant 0 : i32
      %dma_wait3A_334 = tpu.memref_slice %arg3[%add3A_310, %dma_wait3A_333] : memref<16384x1664xf32, #tpu.memory_space<hbm>> -> memref<4x1664xf32, #tpu.memory_space<hbm>>
      %dma_wait3A_335 = tpu.memref_slice %arg8[%dma_wait3A_328] : memref<4x!tpu.dma_semaphore, #tpu.memory_space<semaphore_mem>> -> memref<1x!tpu.dma_semaphore, #tpu.memory_space<semaphore_mem>>
      %dma_wait3A_336 = tpu.memref_squeeze %dma_wait3A_335 : memref<1x!tpu.dma_semaphore, #tpu.memory_space<semaphore_mem>> -> memref<!tpu.dma_semaphore, #tpu.memory_space<semaphore_mem>>
      %dma_wait3A_337 = arith.constant 0 : i32
      %dma_wait3A_338 = arith.constant 1664 : i32
      %dma_wait3A_339 = tpu.memref_slice %arg7[%dma_wait3A_327, %dma_wait3A_337, %dma_wait3A_338] : memref<4x4x6656xf32, #tpu.memory_space<vmem>> -> memref<1x4x1664xf32, #tpu.memory_space<vmem>>
      %dma_wait3A_340 = tpu.memref_squeeze %dma_wait3A_339 : memref<1x4x1664xf32, #tpu.memory_space<vmem>> -> memref<4x1664xf32, #tpu.memory_space<vmem>>
      %dma_wait3A_341 = arith.constant 0 : i32
      %dma_wait3A_342 = tpu.memref_slice %arg3[%add3A_310, %dma_wait3A_341] : memref<16384x1664xf32, #tpu.memory_space<hbm>> -> memref<4x1664xf32, #tpu.memory_space<hbm>>
      tpu.wait_dma2 semaphore(%dma_wait3A_336 : memref<!tpu.dma_semaphore, #tpu.memory_space<semaphore_mem>>) src(%dma_wait3A_342 : memref<4x1664xf32, #tpu.memory_space<hbm>>) dst(%dma_wait3A_340 : memref<4x1664xf32, #tpu.memory_space<vmem>>)
      %dma_wait3A_343 = arith.constant 1 : i32
      %dma_wait3A_344 = arith.constant 1 : i32
      %dma_wait3A_345 = arith.constant 0 : i32
      %dma_wait3A_346 = arith.constant 3328 : i32
      %dma_wait3A_347 = tpu.memref_slice %arg7[%dma_wait3A_343, %dma_wait3A_345, %dma_wait3A_346] : memref<4x4x6656xf32, #tpu.memory_space<vmem>> -> memref<1x4x1664xf32, #tpu.memory_space<vmem>>
      %dma_wait3A_348 = tpu.memref_squeeze %dma_wait3A_347 : memref<1x4x1664xf32, #tpu.memory_space<vmem>> -> memref<4x1664xf32, #tpu.memory_space<vmem>>
      %dma_wait3A_349 = arith.constant 0 : i32
      %dma_wait3A_350 = tpu.memref_slice %arg4[%add3A_310, %dma_wait3A_349] : memref<16384x1664xf32, #tpu.memory_space<hbm>> -> memref<4x1664xf32, #tpu.memory_space<hbm>>
      %dma_wait3A_351 = tpu.memref_slice %arg8[%dma_wait3A_344] : memref<4x!tpu.dma_semaphore, #tpu.memory_space<semaphore_mem>> -> memref<1x!tpu.dma_semaphore, #tpu.memory_space<semaphore_mem>>
      %dma_wait3A_352 = tpu.memref_squeeze %dma_wait3A_351 : memref<1x!tpu.dma_semaphore, #tpu.memory_space<semaphore_mem>> -> memref<!tpu.dma_semaphore, #tpu.memory_space<semaphore_mem>>
      %dma_wait3A_353 = arith.constant 0 : i32
      %dma_wait3A_354 = arith.constant 3328 : i32
      %dma_wait3A_355 = tpu.memref_slice %arg7[%dma_wait3A_343, %dma_wait3A_353, %dma_wait3A_354] : memref<4x4x6656xf32, #tpu.memory_space<vmem>> -> memref<1x4x1664xf32, #tpu.memory_space<vmem>>
      %dma_wait3A_356 = tpu.memref_squeeze %dma_wait3A_355 : memref<1x4x1664xf32, #tpu.memory_space<vmem>> -> memref<4x1664xf32, #tpu.memory_space<vmem>>
      %dma_wait3A_357 = arith.constant 0 : i32
      %dma_wait3A_358 = tpu.memref_slice %arg4[%add3A_310, %dma_wait3A_357] : memref<16384x1664xf32, #tpu.memory_space<hbm>> -> memref<4x1664xf32, #tpu.memory_space<hbm>>
      tpu.wait_dma2 semaphore(%dma_wait3A_352 : memref<!tpu.dma_semaphore, #tpu.memory_space<semaphore_mem>>) src(%dma_wait3A_358 : memref<4x1664xf32, #tpu.memory_space<hbm>>) dst(%dma_wait3A_356 : memref<4x1664xf32, #tpu.memory_space<vmem>>)
      %dma_wait3A_359 = arith.constant 1 : i32
      %dma_wait3A_360 = arith.constant 1 : i32
      %dma_wait3A_361 = arith.constant 0 : i32
      %dma_wait3A_362 = arith.constant 4992 : i32
      %dma_wait3A_363 = tpu.memref_slice %arg7[%dma_wait3A_359, %dma_wait3A_361, %dma_wait3A_362] : memref<4x4x6656xf32, #tpu.memory_space<vmem>> -> memref<1x4x1664xf32, #tpu.memory_space<vmem>>
      %dma_wait3A_364 = tpu.memref_squeeze %dma_wait3A_363 : memref<1x4x1664xf32, #tpu.memory_space<vmem>> -> memref<4x1664xf32, #tpu.memory_space<vmem>>
      %dma_wait3A_365 = arith.constant 0 : i32
      %dma_wait3A_366 = tpu.memref_slice %arg5[%add3A_310, %dma_wait3A_365] : memref<16384x1664xf32, #tpu.memory_space<hbm>> -> memref<4x1664xf32, #tpu.memory_space<hbm>>
      %dma_wait3A_367 = tpu.memref_slice %arg8[%dma_wait3A_360] : memref<4x!tpu.dma_semaphore, #tpu.memory_space<semaphore_mem>> -> memref<1x!tpu.dma_semaphore, #tpu.memory_space<semaphore_mem>>
      %dma_wait3A_368 = tpu.memref_squeeze %dma_wait3A_367 : memref<1x!tpu.dma_semaphore, #tpu.memory_space<semaphore_mem>> -> memref<!tpu.dma_semaphore, #tpu.memory_space<semaphore_mem>>
      %dma_wait3A_369 = arith.constant 0 : i32
      %dma_wait3A_370 = arith.constant 4992 : i32
      %dma_wait3A_371 = tpu.memref_slice %arg7[%dma_wait3A_359, %dma_wait3A_369, %dma_wait3A_370] : memref<4x4x6656xf32, #tpu.memory_space<vmem>> -> memref<1x4x1664xf32, #tpu.memory_space<vmem>>
      %dma_wait3A_372 = tpu.memref_squeeze %dma_wait3A_371 : memref<1x4x1664xf32, #tpu.memory_space<vmem>> -> memref<4x1664xf32, #tpu.memory_space<vmem>>
      %dma_wait3A_373 = arith.constant 0 : i32
      %dma_wait3A_374 = tpu.memref_slice %arg5[%add3A_310, %dma_wait3A_373] : memref<16384x1664xf32, #tpu.memory_space<hbm>> -> memref<4x1664xf32, #tpu.memory_space<hbm>>
      tpu.wait_dma2 semaphore(%dma_wait3A_368 : memref<!tpu.dma_semaphore, #tpu.memory_space<semaphore_mem>>) src(%dma_wait3A_374 : memref<4x1664xf32, #tpu.memory_space<hbm>>) dst(%dma_wait3A_372 : memref<4x1664xf32, #tpu.memory_space<vmem>>)
      %mul3A_375 = arith.constant 4 : i32
      %mul3A_376 = arith.muli %add3A_307, %mul3A_375 : i32
      %add3A_377 = arith.addi %mul3A_2, %mul3A_376 : i32
      %dma_start3A_378 = arith.constant 1 : i32
      %dma_start3A_379 = arith.constant 1 : i32
      %dma_start3A_380 = arith.constant 0 : i32
      %dma_start3A_381 = arith.constant 0 : i32
      %dma_start3A_382 = tpu.memref_slice %arg7[%dma_start3A_378, %dma_start3A_380, %dma_start3A_381] : memref<4x4x6656xf32, #tpu.memory_space<vmem>> -> memref<1x4x6656xf32, #tpu.memory_space<vmem>>
      %dma_start3A_383 = tpu.memref_squeeze %dma_start3A_382 : memref<1x4x6656xf32, #tpu.memory_space<vmem>> -> memref<4x6656xf32, #tpu.memory_space<vmem>>
      %dma_start3A_384 = arith.constant 0 : i32
      %dma_start3A_385 = tpu.memref_slice %arg6[%add3A_377, %dma_start3A_384] : memref<16384x6656xf32, #tpu.memory_space<hbm>> -> memref<4x6656xf32, #tpu.memory_space<hbm>>
      %dma_start3A_386 = tpu.memref_slice %arg9[%dma_start3A_379] : memref<4x!tpu.dma_semaphore, #tpu.memory_space<semaphore_mem>> -> memref<1x!tpu.dma_semaphore, #tpu.memory_space<semaphore_mem>>
      %dma_start3A_387 = tpu.memref_squeeze %dma_start3A_386 : memref<1x!tpu.dma_semaphore, #tpu.memory_space<semaphore_mem>> -> memref<!tpu.dma_semaphore, #tpu.memory_space<semaphore_mem>>
      %dma_start3A_388 = arith.constant 0 : i32
      %dma_start3A_389 = tpu.memref_slice %arg6[%add3A_377, %dma_start3A_388] : memref<16384x6656xf32, #tpu.memory_space<hbm>> -> memref<4x6656xf32, #tpu.memory_space<hbm>>
      %dma_start3A_390 = arith.constant 0 : i32
      %dma_start3A_391 = arith.constant 0 : i32
      %dma_start3A_392 = tpu.memref_slice %arg7[%dma_start3A_378, %dma_start3A_390, %dma_start3A_391] : memref<4x4x6656xf32, #tpu.memory_space<vmem>> -> memref<1x4x6656xf32, #tpu.memory_space<vmem>>
      %dma_start3A_393 = tpu.memref_squeeze %dma_start3A_392 : memref<1x4x6656xf32, #tpu.memory_space<vmem>> -> memref<4x6656xf32, #tpu.memory_space<vmem>>
      tpu.enqueue_dma source(%dma_start3A_393 : memref<4x6656xf32, #tpu.memory_space<vmem>>) target(%dma_start3A_389 : memref<4x6656xf32, #tpu.memory_space<hbm>>) target_semaphore(%dma_start3A_387 : memref<!tpu.dma_semaphore, #tpu.memory_space<semaphore_mem>>)
      %add3A_394 = arith.constant 2 : i32
      %add3A_395 = arith.addi %add3A_307, %add3A_394 : i32
      %lt3A_396 = arith.constant 128 : i32
      %lt3A_397 = arith.cmpi slt, %add3A_395, %lt3A_396 : i32
      %convert_element_type3A_398 = arith.extui %lt3A_397 : i1 to i32
      %cond3A_399 = arith.constant 0 : i32
      %cond3A_400 = arith.cmpi ne, %convert_element_type3A_398, %cond3A_399 : i32
      scf.if %cond3A_400 {
        %ge3A = arith.constant 2 : i32
        %ge3A_591 = arith.cmpi sge, %add3A_307, %ge3A : i32
        %convert_element_type3A_592 = arith.extui %ge3A_591 : i1 to i32
        %cond3A_593 = arith.constant 0 : i32
        %cond3A_594 = arith.cmpi ne, %convert_element_type3A_592, %cond3A_593 : i32
        scf.if %cond3A_594 {
          %add3A_664 = arith.constant 0 : i32
          %add3A_665 = arith.addi %mul3A_2, %add3A_664 : i32
          %dma_wait3A_666 = arith.constant 3 : i32
          %dma_wait3A_667 = arith.constant 3 : i32
          %dma_wait3A_668 = arith.constant 0 : i32
          %dma_wait3A_669 = arith.constant 0 : i32
          %dma_wait3A_670 = tpu.memref_slice %arg7[%dma_wait3A_666, %dma_wait3A_668, %dma_wait3A_669] : memref<4x4x6656xf32, #tpu.memory_space<vmem>> -> memref<1x4x6656xf32, #tpu.memory_space<vmem>>
          %dma_wait3A_671 = tpu.memref_squeeze %dma_wait3A_670 : memref<1x4x6656xf32, #tpu.memory_space<vmem>> -> memref<4x6656xf32, #tpu.memory_space<vmem>>
          %dma_wait3A_672 = arith.constant 0 : i32
          %dma_wait3A_673 = tpu.memref_slice %arg6[%add3A_665, %dma_wait3A_672] : memref<16384x6656xf32, #tpu.memory_space<hbm>> -> memref<4x6656xf32, #tpu.memory_space<hbm>>
          %dma_wait3A_674 = tpu.memref_slice %arg9[%dma_wait3A_667] : memref<4x!tpu.dma_semaphore, #tpu.memory_space<semaphore_mem>> -> memref<1x!tpu.dma_semaphore, #tpu.memory_space<semaphore_mem>>
          %dma_wait3A_675 = tpu.memref_squeeze %dma_wait3A_674 : memref<1x!tpu.dma_semaphore, #tpu.memory_space<semaphore_mem>> -> memref<!tpu.dma_semaphore, #tpu.memory_space<semaphore_mem>>
          %dma_wait3A_676 = arith.constant 0 : i32
          %dma_wait3A_677 = tpu.memref_slice %arg6[%add3A_665, %dma_wait3A_676] : memref<16384x6656xf32, #tpu.memory_space<hbm>> -> memref<4x6656xf32, #tpu.memory_space<hbm>>
          %dma_wait3A_678 = arith.constant 0 : i32
          %dma_wait3A_679 = arith.constant 0 : i32
          %dma_wait3A_680 = tpu.memref_slice %arg7[%dma_wait3A_666, %dma_wait3A_678, %dma_wait3A_679] : memref<4x4x6656xf32, #tpu.memory_space<vmem>> -> memref<1x4x6656xf32, #tpu.memory_space<vmem>>
          %dma_wait3A_681 = tpu.memref_squeeze %dma_wait3A_680 : memref<1x4x6656xf32, #tpu.memory_space<vmem>> -> memref<4x6656xf32, #tpu.memory_space<vmem>>
          tpu.wait_dma2 semaphore(%dma_wait3A_675 : memref<!tpu.dma_semaphore, #tpu.memory_space<semaphore_mem>>) src(%dma_wait3A_681 : memref<4x6656xf32, #tpu.memory_space<vmem>>) dst(%dma_wait3A_677 : memref<4x6656xf32, #tpu.memory_space<hbm>>)
        } else {
        }
        %add3A_595 = arith.constant 2 : i32
        %add3A_596 = arith.addi %add3A_307, %add3A_595 : i32
        %mul3A_597 = arith.constant 4 : i32
        %mul3A_598 = arith.muli %add3A_596, %mul3A_597 : i32
        %add3A_599 = arith.addi %mul3A_2, %mul3A_598 : i32
        %dma_start3A_600 = arith.constant 3 : i32
        %dma_start3A_601 = arith.constant 3 : i32
        %dma_start3A_602 = arith.constant 0 : i32
        %dma_start3A_603 = arith.constant 0 : i32
        %dma_start3A_604 = tpu.memref_slice %arg7[%dma_start3A_600, %dma_start3A_602, %dma_start3A_603] : memref<4x4x6656xf32, #tpu.memory_space<vmem>> -> memref<1x4x1664xf32, #tpu.memory_space<vmem>>
        %dma_start3A_605 = tpu.memref_squeeze %dma_start3A_604 : memref<1x4x1664xf32, #tpu.memory_space<vmem>> -> memref<4x1664xf32, #tpu.memory_space<vmem>>
        %dma_start3A_606 = arith.constant 0 : i32
        %dma_start3A_607 = tpu.memref_slice %arg2[%add3A_599, %dma_start3A_606] : memref<16384x1664xf32, #tpu.memory_space<hbm>> -> memref<4x1664xf32, #tpu.memory_space<hbm>>
        %dma_start3A_608 = tpu.memref_slice %arg8[%dma_start3A_601] : memref<4x!tpu.dma_semaphore, #tpu.memory_space<semaphore_mem>> -> memref<1x!tpu.dma_semaphore, #tpu.memory_space<semaphore_mem>>
        %dma_start3A_609 = tpu.memref_squeeze %dma_start3A_608 : memref<1x!tpu.dma_semaphore, #tpu.memory_space<semaphore_mem>> -> memref<!tpu.dma_semaphore, #tpu.memory_space<semaphore_mem>>
        %dma_start3A_610 = arith.constant 0 : i32
        %dma_start3A_611 = arith.constant 0 : i32
        %dma_start3A_612 = tpu.memref_slice %arg7[%dma_start3A_600, %dma_start3A_610, %dma_start3A_611] : memref<4x4x6656xf32, #tpu.memory_space<vmem>> -> memref<1x4x1664xf32, #tpu.memory_space<vmem>>
        %dma_start3A_613 = tpu.memref_squeeze %dma_start3A_612 : memref<1x4x1664xf32, #tpu.memory_space<vmem>> -> memref<4x1664xf32, #tpu.memory_space<vmem>>
        %dma_start3A_614 = arith.constant 0 : i32
        %dma_start3A_615 = tpu.memref_slice %arg2[%add3A_599, %dma_start3A_614] : memref<16384x1664xf32, #tpu.memory_space<hbm>> -> memref<4x1664xf32, #tpu.memory_space<hbm>>
        tpu.enqueue_dma source(%dma_start3A_615 : memref<4x1664xf32, #tpu.memory_space<hbm>>) target(%dma_start3A_613 : memref<4x1664xf32, #tpu.memory_space<vmem>>) target_semaphore(%dma_start3A_609 : memref<!tpu.dma_semaphore, #tpu.memory_space<semaphore_mem>>)
        %dma_start3A_616 = arith.constant 3 : i32
        %dma_start3A_617 = arith.constant 3 : i32
        %dma_start3A_618 = arith.constant 0 : i32
        %dma_start3A_619 = arith.constant 1664 : i32
        %dma_start3A_620 = tpu.memref_slice %arg7[%dma_start3A_616, %dma_start3A_618, %dma_start3A_619] : memref<4x4x6656xf32, #tpu.memory_space<vmem>> -> memref<1x4x1664xf32, #tpu.memory_space<vmem>>
        %dma_start3A_621 = tpu.memref_squeeze %dma_start3A_620 : memref<1x4x1664xf32, #tpu.memory_space<vmem>> -> memref<4x1664xf32, #tpu.memory_space<vmem>>
        %dma_start3A_622 = arith.constant 0 : i32
        %dma_start3A_623 = tpu.memref_slice %arg3[%add3A_599, %dma_start3A_622] : memref<16384x1664xf32, #tpu.memory_space<hbm>> -> memref<4x1664xf32, #tpu.memory_space<hbm>>
        %dma_start3A_624 = tpu.memref_slice %arg8[%dma_start3A_617] : memref<4x!tpu.dma_semaphore, #tpu.memory_space<semaphore_mem>> -> memref<1x!tpu.dma_semaphore, #tpu.memory_space<semaphore_mem>>
        %dma_start3A_625 = tpu.memref_squeeze %dma_start3A_624 : memref<1x!tpu.dma_semaphore, #tpu.memory_space<semaphore_mem>> -> memref<!tpu.dma_semaphore, #tpu.memory_space<semaphore_mem>>
        %dma_start3A_626 = arith.constant 0 : i32
        %dma_start3A_627 = arith.constant 1664 : i32
        %dma_start3A_628 = tpu.memref_slice %arg7[%dma_start3A_616, %dma_start3A_626, %dma_start3A_627] : memref<4x4x6656xf32, #tpu.memory_space<vmem>> -> memref<1x4x1664xf32, #tpu.memory_space<vmem>>
        %dma_start3A_629 = tpu.memref_squeeze %dma_start3A_628 : memref<1x4x1664xf32, #tpu.memory_space<vmem>> -> memref<4x1664xf32, #tpu.memory_space<vmem>>
        %dma_start3A_630 = arith.constant 0 : i32
        %dma_start3A_631 = tpu.memref_slice %arg3[%add3A_599, %dma_start3A_630] : memref<16384x1664xf32, #tpu.memory_space<hbm>> -> memref<4x1664xf32, #tpu.memory_space<hbm>>
        tpu.enqueue_dma source(%dma_start3A_631 : memref<4x1664xf32, #tpu.memory_space<hbm>>) target(%dma_start3A_629 : memref<4x1664xf32, #tpu.memory_space<vmem>>) target_semaphore(%dma_start3A_625 : memref<!tpu.dma_semaphore, #tpu.memory_space<semaphore_mem>>)
        %dma_start3A_632 = arith.constant 3 : i32
        %dma_start3A_633 = arith.constant 3 : i32
        %dma_start3A_634 = arith.constant 0 : i32
        %dma_start3A_635 = arith.constant 3328 : i32
        %dma_start3A_636 = tpu.memref_slice %arg7[%dma_start3A_632, %dma_start3A_634, %dma_start3A_635] : memref<4x4x6656xf32, #tpu.memory_space<vmem>> -> memref<1x4x1664xf32, #tpu.memory_space<vmem>>
        %dma_start3A_637 = tpu.memref_squeeze %dma_start3A_636 : memref<1x4x1664xf32, #tpu.memory_space<vmem>> -> memref<4x1664xf32, #tpu.memory_space<vmem>>
        %dma_start3A_638 = arith.constant 0 : i32
        %dma_start3A_639 = tpu.memref_slice %arg4[%add3A_599, %dma_start3A_638] : memref<16384x1664xf32, #tpu.memory_space<hbm>> -> memref<4x1664xf32, #tpu.memory_space<hbm>>
        %dma_start3A_640 = tpu.memref_slice %arg8[%dma_start3A_633] : memref<4x!tpu.dma_semaphore, #tpu.memory_space<semaphore_mem>> -> memref<1x!tpu.dma_semaphore, #tpu.memory_space<semaphore_mem>>
        %dma_start3A_641 = tpu.memref_squeeze %dma_start3A_640 : memref<1x!tpu.dma_semaphore, #tpu.memory_space<semaphore_mem>> -> memref<!tpu.dma_semaphore, #tpu.memory_space<semaphore_mem>>
        %dma_start3A_642 = arith.constant 0 : i32
        %dma_start3A_643 = arith.constant 3328 : i32
        %dma_start3A_644 = tpu.memref_slice %arg7[%dma_start3A_632, %dma_start3A_642, %dma_start3A_643] : memref<4x4x6656xf32, #tpu.memory_space<vmem>> -> memref<1x4x1664xf32, #tpu.memory_space<vmem>>
        %dma_start3A_645 = tpu.memref_squeeze %dma_start3A_644 : memref<1x4x1664xf32, #tpu.memory_space<vmem>> -> memref<4x1664xf32, #tpu.memory_space<vmem>>
        %dma_start3A_646 = arith.constant 0 : i32
        %dma_start3A_647 = tpu.memref_slice %arg4[%add3A_599, %dma_start3A_646] : memref<16384x1664xf32, #tpu.memory_space<hbm>> -> memref<4x1664xf32, #tpu.memory_space<hbm>>
        tpu.enqueue_dma source(%dma_start3A_647 : memref<4x1664xf32, #tpu.memory_space<hbm>>) target(%dma_start3A_645 : memref<4x1664xf32, #tpu.memory_space<vmem>>) target_semaphore(%dma_start3A_641 : memref<!tpu.dma_semaphore, #tpu.memory_space<semaphore_mem>>)
        %dma_start3A_648 = arith.constant 3 : i32
        %dma_start3A_649 = arith.constant 3 : i32
        %dma_start3A_650 = arith.constant 0 : i32
        %dma_start3A_651 = arith.constant 4992 : i32
        %dma_start3A_652 = tpu.memref_slice %arg7[%dma_start3A_648, %dma_start3A_650, %dma_start3A_651] : memref<4x4x6656xf32, #tpu.memory_space<vmem>> -> memref<1x4x1664xf32, #tpu.memory_space<vmem>>
        %dma_start3A_653 = tpu.memref_squeeze %dma_start3A_652 : memref<1x4x1664xf32, #tpu.memory_space<vmem>> -> memref<4x1664xf32, #tpu.memory_space<vmem>>
        %dma_start3A_654 = arith.constant 0 : i32
        %dma_start3A_655 = tpu.memref_slice %arg5[%add3A_599, %dma_start3A_654] : memref<16384x1664xf32, #tpu.memory_space<hbm>> -> memref<4x1664xf32, #tpu.memory_space<hbm>>
        %dma_start3A_656 = tpu.memref_slice %arg8[%dma_start3A_649] : memref<4x!tpu.dma_semaphore, #tpu.memory_space<semaphore_mem>> -> memref<1x!tpu.dma_semaphore, #tpu.memory_space<semaphore_mem>>
        %dma_start3A_657 = tpu.memref_squeeze %dma_start3A_656 : memref<1x!tpu.dma_semaphore, #tpu.memory_space<semaphore_mem>> -> memref<!tpu.dma_semaphore, #tpu.memory_space<semaphore_mem>>
        %dma_start3A_658 = arith.constant 0 : i32
        %dma_start3A_659 = arith.constant 4992 : i32
        %dma_start3A_660 = tpu.memref_slice %arg7[%dma_start3A_648, %dma_start3A_658, %dma_start3A_659] : memref<4x4x6656xf32, #tpu.memory_space<vmem>> -> memref<1x4x1664xf32, #tpu.memory_space<vmem>>
        %dma_start3A_661 = tpu.memref_squeeze %dma_start3A_660 : memref<1x4x1664xf32, #tpu.memory_space<vmem>> -> memref<4x1664xf32, #tpu.memory_space<vmem>>
        %dma_start3A_662 = arith.constant 0 : i32
        %dma_start3A_663 = tpu.memref_slice %arg5[%add3A_599, %dma_start3A_662] : memref<16384x1664xf32, #tpu.memory_space<hbm>> -> memref<4x1664xf32, #tpu.memory_space<hbm>>
        tpu.enqueue_dma source(%dma_start3A_663 : memref<4x1664xf32, #tpu.memory_space<hbm>>) target(%dma_start3A_661 : memref<4x1664xf32, #tpu.memory_space<vmem>>) target_semaphore(%dma_start3A_657 : memref<!tpu.dma_semaphore, #tpu.memory_space<semaphore_mem>>)
      } else {
      }
      %add3A_401 = arith.constant 2 : i32
      %add3A_402 = arith.addi %add3A_213, %add3A_401 : i32
      %mul3A_403 = arith.constant 4 : i32
      %mul3A_404 = arith.muli %add3A_402, %mul3A_403 : i32
      %add3A_405 = arith.addi %mul3A_2, %mul3A_404 : i32
      %dma_wait3A_406 = arith.constant 2 : i32
      %dma_wait3A_407 = arith.constant 2 : i32
      %dma_wait3A_408 = arith.constant 0 : i32
      %dma_wait3A_409 = arith.constant 0 : i32
      %dma_wait3A_410 = tpu.memref_slice %arg7[%dma_wait3A_406, %dma_wait3A_408, %dma_wait3A_409] : memref<4x4x6656xf32, #tpu.memory_space<vmem>> -> memref<1x4x1664xf32, #tpu.memory_space<vmem>>
      %dma_wait3A_411 = tpu.memref_squeeze %dma_wait3A_410 : memref<1x4x1664xf32, #tpu.memory_space<vmem>> -> memref<4x1664xf32, #tpu.memory_space<vmem>>
      %dma_wait3A_412 = arith.constant 0 : i32
      %dma_wait3A_413 = tpu.memref_slice %arg2[%add3A_405, %dma_wait3A_412] : memref<16384x1664xf32, #tpu.memory_space<hbm>> -> memref<4x1664xf32, #tpu.memory_space<hbm>>
      %dma_wait3A_414 = tpu.memref_slice %arg8[%dma_wait3A_407] : memref<4x!tpu.dma_semaphore, #tpu.memory_space<semaphore_mem>> -> memref<1x!tpu.dma_semaphore, #tpu.memory_space<semaphore_mem>>
      %dma_wait3A_415 = tpu.memref_squeeze %dma_wait3A_414 : memref<1x!tpu.dma_semaphore, #tpu.memory_space<semaphore_mem>> -> memref<!tpu.dma_semaphore, #tpu.memory_space<semaphore_mem>>
      %dma_wait3A_416 = arith.constant 0 : i32
      %dma_wait3A_417 = arith.constant 0 : i32
      %dma_wait3A_418 = tpu.memref_slice %arg7[%dma_wait3A_406, %dma_wait3A_416, %dma_wait3A_417] : memref<4x4x6656xf32, #tpu.memory_space<vmem>> -> memref<1x4x1664xf32, #tpu.memory_space<vmem>>
      %dma_wait3A_419 = tpu.memref_squeeze %dma_wait3A_418 : memref<1x4x1664xf32, #tpu.memory_space<vmem>> -> memref<4x1664xf32, #tpu.memory_space<vmem>>
      %dma_wait3A_420 = arith.constant 0 : i32
      %dma_wait3A_421 = tpu.memref_slice %arg2[%add3A_405, %dma_wait3A_420] : memref<16384x1664xf32, #tpu.memory_space<hbm>> -> memref<4x1664xf32, #tpu.memory_space<hbm>>
      tpu.wait_dma2 semaphore(%dma_wait3A_415 : memref<!tpu.dma_semaphore, #tpu.memory_space<semaphore_mem>>) src(%dma_wait3A_421 : memref<4x1664xf32, #tpu.memory_space<hbm>>) dst(%dma_wait3A_419 : memref<4x1664xf32, #tpu.memory_space<vmem>>)
      %dma_wait3A_422 = arith.constant 2 : i32
      %dma_wait3A_423 = arith.constant 2 : i32
      %dma_wait3A_424 = arith.constant 0 : i32
      %dma_wait3A_425 = arith.constant 1664 : i32
      %dma_wait3A_426 = tpu.memref_slice %arg7[%dma_wait3A_422, %dma_wait3A_424, %dma_wait3A_425] : memref<4x4x6656xf32, #tpu.memory_space<vmem>> -> memref<1x4x1664xf32, #tpu.memory_space<vmem>>
      %dma_wait3A_427 = tpu.memref_squeeze %dma_wait3A_426 : memref<1x4x1664xf32, #tpu.memory_space<vmem>> -> memref<4x1664xf32, #tpu.memory_space<vmem>>
      %dma_wait3A_428 = arith.constant 0 : i32
      %dma_wait3A_429 = tpu.memref_slice %arg3[%add3A_405, %dma_wait3A_428] : memref<16384x1664xf32, #tpu.memory_space<hbm>> -> memref<4x1664xf32, #tpu.memory_space<hbm>>
      %dma_wait3A_430 = tpu.memref_slice %arg8[%dma_wait3A_423] : memref<4x!tpu.dma_semaphore, #tpu.memory_space<semaphore_mem>> -> memref<1x!tpu.dma_semaphore, #tpu.memory_space<semaphore_mem>>
      %dma_wait3A_431 = tpu.memref_squeeze %dma_wait3A_430 : memref<1x!tpu.dma_semaphore, #tpu.memory_space<semaphore_mem>> -> memref<!tpu.dma_semaphore, #tpu.memory_space<semaphore_mem>>
      %dma_wait3A_432 = arith.constant 0 : i32
      %dma_wait3A_433 = arith.constant 1664 : i32
      %dma_wait3A_434 = tpu.memref_slice %arg7[%dma_wait3A_422, %dma_wait3A_432, %dma_wait3A_433] : memref<4x4x6656xf32, #tpu.memory_space<vmem>> -> memref<1x4x1664xf32, #tpu.memory_space<vmem>>
      %dma_wait3A_435 = tpu.memref_squeeze %dma_wait3A_434 : memref<1x4x1664xf32, #tpu.memory_space<vmem>> -> memref<4x1664xf32, #tpu.memory_space<vmem>>
      %dma_wait3A_436 = arith.constant 0 : i32
      %dma_wait3A_437 = tpu.memref_slice %arg3[%add3A_405, %dma_wait3A_436] : memref<16384x1664xf32, #tpu.memory_space<hbm>> -> memref<4x1664xf32, #tpu.memory_space<hbm>>
      tpu.wait_dma2 semaphore(%dma_wait3A_431 : memref<!tpu.dma_semaphore, #tpu.memory_space<semaphore_mem>>) src(%dma_wait3A_437 : memref<4x1664xf32, #tpu.memory_space<hbm>>) dst(%dma_wait3A_435 : memref<4x1664xf32, #tpu.memory_space<vmem>>)
      %dma_wait3A_438 = arith.constant 2 : i32
      %dma_wait3A_439 = arith.constant 2 : i32
      %dma_wait3A_440 = arith.constant 0 : i32
      %dma_wait3A_441 = arith.constant 3328 : i32
      %dma_wait3A_442 = tpu.memref_slice %arg7[%dma_wait3A_438, %dma_wait3A_440, %dma_wait3A_441] : memref<4x4x6656xf32, #tpu.memory_space<vmem>> -> memref<1x4x1664xf32, #tpu.memory_space<vmem>>
      %dma_wait3A_443 = tpu.memref_squeeze %dma_wait3A_442 : memref<1x4x1664xf32, #tpu.memory_space<vmem>> -> memref<4x1664xf32, #tpu.memory_space<vmem>>
      %dma_wait3A_444 = arith.constant 0 : i32
      %dma_wait3A_445 = tpu.memref_slice %arg4[%add3A_405, %dma_wait3A_444] : memref<16384x1664xf32, #tpu.memory_space<hbm>> -> memref<4x1664xf32, #tpu.memory_space<hbm>>
      %dma_wait3A_446 = tpu.memref_slice %arg8[%dma_wait3A_439] : memref<4x!tpu.dma_semaphore, #tpu.memory_space<semaphore_mem>> -> memref<1x!tpu.dma_semaphore, #tpu.memory_space<semaphore_mem>>
      %dma_wait3A_447 = tpu.memref_squeeze %dma_wait3A_446 : memref<1x!tpu.dma_semaphore, #tpu.memory_space<semaphore_mem>> -> memref<!tpu.dma_semaphore, #tpu.memory_space<semaphore_mem>>
      %dma_wait3A_448 = arith.constant 0 : i32
      %dma_wait3A_449 = arith.constant 3328 : i32
      %dma_wait3A_450 = tpu.memref_slice %arg7[%dma_wait3A_438, %dma_wait3A_448, %dma_wait3A_449] : memref<4x4x6656xf32, #tpu.memory_space<vmem>> -> memref<1x4x1664xf32, #tpu.memory_space<vmem>>
      %dma_wait3A_451 = tpu.memref_squeeze %dma_wait3A_450 : memref<1x4x1664xf32, #tpu.memory_space<vmem>> -> memref<4x1664xf32, #tpu.memory_space<vmem>>
      %dma_wait3A_452 = arith.constant 0 : i32
      %dma_wait3A_453 = tpu.memref_slice %arg4[%add3A_405, %dma_wait3A_452] : memref<16384x1664xf32, #tpu.memory_space<hbm>> -> memref<4x1664xf32, #tpu.memory_space<hbm>>
      tpu.wait_dma2 semaphore(%dma_wait3A_447 : memref<!tpu.dma_semaphore, #tpu.memory_space<semaphore_mem>>) src(%dma_wait3A_453 : memref<4x1664xf32, #tpu.memory_space<hbm>>) dst(%dma_wait3A_451 : memref<4x1664xf32, #tpu.memory_space<vmem>>)
      %dma_wait3A_454 = arith.constant 2 : i32
      %dma_wait3A_455 = arith.constant 2 : i32
      %dma_wait3A_456 = arith.constant 0 : i32
      %dma_wait3A_457 = arith.constant 4992 : i32
      %dma_wait3A_458 = tpu.memref_slice %arg7[%dma_wait3A_454, %dma_wait3A_456, %dma_wait3A_457] : memref<4x4x6656xf32, #tpu.memory_space<vmem>> -> memref<1x4x1664xf32, #tpu.memory_space<vmem>>
      %dma_wait3A_459 = tpu.memref_squeeze %dma_wait3A_458 : memref<1x4x1664xf32, #tpu.memory_space<vmem>> -> memref<4x1664xf32, #tpu.memory_space<vmem>>
      %dma_wait3A_460 = arith.constant 0 : i32
      %dma_wait3A_461 = tpu.memref_slice %arg5[%add3A_405, %dma_wait3A_460] : memref<16384x1664xf32, #tpu.memory_space<hbm>> -> memref<4x1664xf32, #tpu.memory_space<hbm>>
      %dma_wait3A_462 = tpu.memref_slice %arg8[%dma_wait3A_455] : memref<4x!tpu.dma_semaphore, #tpu.memory_space<semaphore_mem>> -> memref<1x!tpu.dma_semaphore, #tpu.memory_space<semaphore_mem>>
      %dma_wait3A_463 = tpu.memref_squeeze %dma_wait3A_462 : memref<1x!tpu.dma_semaphore, #tpu.memory_space<semaphore_mem>> -> memref<!tpu.dma_semaphore, #tpu.memory_space<semaphore_mem>>
      %dma_wait3A_464 = arith.constant 0 : i32
      %dma_wait3A_465 = arith.constant 4992 : i32
      %dma_wait3A_466 = tpu.memref_slice %arg7[%dma_wait3A_454, %dma_wait3A_464, %dma_wait3A_465] : memref<4x4x6656xf32, #tpu.memory_space<vmem>> -> memref<1x4x1664xf32, #tpu.memory_space<vmem>>
      %dma_wait3A_467 = tpu.memref_squeeze %dma_wait3A_466 : memref<1x4x1664xf32, #tpu.memory_space<vmem>> -> memref<4x1664xf32, #tpu.memory_space<vmem>>
      %dma_wait3A_468 = arith.constant 0 : i32
      %dma_wait3A_469 = tpu.memref_slice %arg5[%add3A_405, %dma_wait3A_468] : memref<16384x1664xf32, #tpu.memory_space<hbm>> -> memref<4x1664xf32, #tpu.memory_space<hbm>>
      tpu.wait_dma2 semaphore(%dma_wait3A_463 : memref<!tpu.dma_semaphore, #tpu.memory_space<semaphore_mem>>) src(%dma_wait3A_469 : memref<4x1664xf32, #tpu.memory_space<hbm>>) dst(%dma_wait3A_467 : memref<4x1664xf32, #tpu.memory_space<vmem>>)
      %mul3A_470 = arith.constant 4 : i32
      %mul3A_471 = arith.muli %add3A_402, %mul3A_470 : i32
      %add3A_472 = arith.addi %mul3A_2, %mul3A_471 : i32
      %dma_start3A_473 = arith.constant 2 : i32
      %dma_start3A_474 = arith.constant 2 : i32
      %dma_start3A_475 = arith.constant 0 : i32
      %dma_start3A_476 = arith.constant 0 : i32
      %dma_start3A_477 = tpu.memref_slice %arg7[%dma_start3A_473, %dma_start3A_475, %dma_start3A_476] : memref<4x4x6656xf32, #tpu.memory_space<vmem>> -> memref<1x4x6656xf32, #tpu.memory_space<vmem>>
      %dma_start3A_478 = tpu.memref_squeeze %dma_start3A_477 : memref<1x4x6656xf32, #tpu.memory_space<vmem>> -> memref<4x6656xf32, #tpu.memory_space<vmem>>
      %dma_start3A_479 = arith.constant 0 : i32
      %dma_start3A_480 = tpu.memref_slice %arg6[%add3A_472, %dma_start3A_479] : memref<16384x6656xf32, #tpu.memory_space<hbm>> -> memref<4x6656xf32, #tpu.memory_space<hbm>>
      %dma_start3A_481 = tpu.memref_slice %arg9[%dma_start3A_474] : memref<4x!tpu.dma_semaphore, #tpu.memory_space<semaphore_mem>> -> memref<1x!tpu.dma_semaphore, #tpu.memory_space<semaphore_mem>>
      %dma_start3A_482 = tpu.memref_squeeze %dma_start3A_481 : memref<1x!tpu.dma_semaphore, #tpu.memory_space<semaphore_mem>> -> memref<!tpu.dma_semaphore, #tpu.memory_space<semaphore_mem>>
      %dma_start3A_483 = arith.constant 0 : i32
      %dma_start3A_484 = tpu.memref_slice %arg6[%add3A_472, %dma_start3A_483] : memref<16384x6656xf32, #tpu.memory_space<hbm>> -> memref<4x6656xf32, #tpu.memory_space<hbm>>
      %dma_start3A_485 = arith.constant 0 : i32
      %dma_start3A_486 = arith.constant 0 : i32
      %dma_start3A_487 = tpu.memref_slice %arg7[%dma_start3A_473, %dma_start3A_485, %dma_start3A_486] : memref<4x4x6656xf32, #tpu.memory_space<vmem>> -> memref<1x4x6656xf32, #tpu.memory_space<vmem>>
      %dma_start3A_488 = tpu.memref_squeeze %dma_start3A_487 : memref<1x4x6656xf32, #tpu.memory_space<vmem>> -> memref<4x6656xf32, #tpu.memory_space<vmem>>
      tpu.enqueue_dma source(%dma_start3A_488 : memref<4x6656xf32, #tpu.memory_space<vmem>>) target(%dma_start3A_484 : memref<4x6656xf32, #tpu.memory_space<hbm>>) target_semaphore(%dma_start3A_482 : memref<!tpu.dma_semaphore, #tpu.memory_space<semaphore_mem>>)
      %add3A_489 = arith.constant 2 : i32
      %add3A_490 = arith.addi %add3A_402, %add3A_489 : i32
      %lt3A_491 = arith.constant 128 : i32
      %lt3A_492 = arith.cmpi slt, %add3A_490, %lt3A_491 : i32
      %convert_element_type3A_493 = arith.extui %lt3A_492 : i1 to i32
      %cond3A_494 = arith.constant 0 : i32
      %cond3A_495 = arith.cmpi ne, %convert_element_type3A_493, %cond3A_494 : i32
      scf.if %cond3A_495 {
        %ge3A = arith.constant 2 : i32
        %ge3A_591 = arith.cmpi sge, %add3A_402, %ge3A : i32
        %convert_element_type3A_592 = arith.extui %ge3A_591 : i1 to i32
        %cond3A_593 = arith.constant 0 : i32
        %cond3A_594 = arith.cmpi ne, %convert_element_type3A_592, %cond3A_593 : i32
        scf.if %cond3A_594 {
          %add3A_664 = arith.constant 0 : i32
          %add3A_665 = arith.addi %mul3A_2, %add3A_664 : i32
          %dma_wait3A_666 = arith.constant 0 : i32
          %dma_wait3A_667 = arith.constant 0 : i32
          %dma_wait3A_668 = arith.constant 0 : i32
          %dma_wait3A_669 = arith.constant 0 : i32
          %dma_wait3A_670 = tpu.memref_slice %arg7[%dma_wait3A_666, %dma_wait3A_668, %dma_wait3A_669] : memref<4x4x6656xf32, #tpu.memory_space<vmem>> -> memref<1x4x6656xf32, #tpu.memory_space<vmem>>
          %dma_wait3A_671 = tpu.memref_squeeze %dma_wait3A_670 : memref<1x4x6656xf32, #tpu.memory_space<vmem>> -> memref<4x6656xf32, #tpu.memory_space<vmem>>
          %dma_wait3A_672 = arith.constant 0 : i32
          %dma_wait3A_673 = tpu.memref_slice %arg6[%add3A_665, %dma_wait3A_672] : memref<16384x6656xf32, #tpu.memory_space<hbm>> -> memref<4x6656xf32, #tpu.memory_space<hbm>>
          %dma_wait3A_674 = tpu.memref_slice %arg9[%dma_wait3A_667] : memref<4x!tpu.dma_semaphore, #tpu.memory_space<semaphore_mem>> -> memref<1x!tpu.dma_semaphore, #tpu.memory_space<semaphore_mem>>
          %dma_wait3A_675 = tpu.memref_squeeze %dma_wait3A_674 : memref<1x!tpu.dma_semaphore, #tpu.memory_space<semaphore_mem>> -> memref<!tpu.dma_semaphore, #tpu.memory_space<semaphore_mem>>
          %dma_wait3A_676 = arith.constant 0 : i32
          %dma_wait3A_677 = tpu.memref_slice %arg6[%add3A_665, %dma_wait3A_676] : memref<16384x6656xf32, #tpu.memory_space<hbm>> -> memref<4x6656xf32, #tpu.memory_space<hbm>>
          %dma_wait3A_678 = arith.constant 0 : i32
          %dma_wait3A_679 = arith.constant 0 : i32
          %dma_wait3A_680 = tpu.memref_slice %arg7[%dma_wait3A_666, %dma_wait3A_678, %dma_wait3A_679] : memref<4x4x6656xf32, #tpu.memory_space<vmem>> -> memref<1x4x6656xf32, #tpu.memory_space<vmem>>
          %dma_wait3A_681 = tpu.memref_squeeze %dma_wait3A_680 : memref<1x4x6656xf32, #tpu.memory_space<vmem>> -> memref<4x6656xf32, #tpu.memory_space<vmem>>
          tpu.wait_dma2 semaphore(%dma_wait3A_675 : memref<!tpu.dma_semaphore, #tpu.memory_space<semaphore_mem>>) src(%dma_wait3A_681 : memref<4x6656xf32, #tpu.memory_space<vmem>>) dst(%dma_wait3A_677 : memref<4x6656xf32, #tpu.memory_space<hbm>>)
        } else {
        }
        %add3A_595 = arith.constant 2 : i32
        %add3A_596 = arith.addi %add3A_402, %add3A_595 : i32
        %mul3A_597 = arith.constant 4 : i32
        %mul3A_598 = arith.muli %add3A_596, %mul3A_597 : i32
        %add3A_599 = arith.addi %mul3A_2, %mul3A_598 : i32
        %dma_start3A_600 = arith.constant 0 : i32
        %dma_start3A_601 = arith.constant 0 : i32
        %dma_start3A_602 = arith.constant 0 : i32
        %dma_start3A_603 = arith.constant 0 : i32
        %dma_start3A_604 = tpu.memref_slice %arg7[%dma_start3A_600, %dma_start3A_602, %dma_start3A_603] : memref<4x4x6656xf32, #tpu.memory_space<vmem>> -> memref<1x4x1664xf32, #tpu.memory_space<vmem>>
        %dma_start3A_605 = tpu.memref_squeeze %dma_start3A_604 : memref<1x4x1664xf32, #tpu.memory_space<vmem>> -> memref<4x1664xf32, #tpu.memory_space<vmem>>
        %dma_start3A_606 = arith.constant 0 : i32
        %dma_start3A_607 = tpu.memref_slice %arg2[%add3A_599, %dma_start3A_606] : memref<16384x1664xf32, #tpu.memory_space<hbm>> -> memref<4x1664xf32, #tpu.memory_space<hbm>>
        %dma_start3A_608 = tpu.memref_slice %arg8[%dma_start3A_601] : memref<4x!tpu.dma_semaphore, #tpu.memory_space<semaphore_mem>> -> memref<1x!tpu.dma_semaphore, #tpu.memory_space<semaphore_mem>>
        %dma_start3A_609 = tpu.memref_squeeze %dma_start3A_608 : memref<1x!tpu.dma_semaphore, #tpu.memory_space<semaphore_mem>> -> memref<!tpu.dma_semaphore, #tpu.memory_space<semaphore_mem>>
        %dma_start3A_610 = arith.constant 0 : i32
        %dma_start3A_611 = arith.constant 0 : i32
        %dma_start3A_612 = tpu.memref_slice %arg7[%dma_start3A_600, %dma_start3A_610, %dma_start3A_611] : memref<4x4x6656xf32, #tpu.memory_space<vmem>> -> memref<1x4x1664xf32, #tpu.memory_space<vmem>>
        %dma_start3A_613 = tpu.memref_squeeze %dma_start3A_612 : memref<1x4x1664xf32, #tpu.memory_space<vmem>> -> memref<4x1664xf32, #tpu.memory_space<vmem>>
        %dma_start3A_614 = arith.constant 0 : i32
        %dma_start3A_615 = tpu.memref_slice %arg2[%add3A_599, %dma_start3A_614] : memref<16384x1664xf32, #tpu.memory_space<hbm>> -> memref<4x1664xf32, #tpu.memory_space<hbm>>
        tpu.enqueue_dma source(%dma_start3A_615 : memref<4x1664xf32, #tpu.memory_space<hbm>>) target(%dma_start3A_613 : memref<4x1664xf32, #tpu.memory_space<vmem>>) target_semaphore(%dma_start3A_609 : memref<!tpu.dma_semaphore, #tpu.memory_space<semaphore_mem>>)
        %dma_start3A_616 = arith.constant 0 : i32
        %dma_start3A_617 = arith.constant 0 : i32
        %dma_start3A_618 = arith.constant 0 : i32
        %dma_start3A_619 = arith.constant 1664 : i32
        %dma_start3A_620 = tpu.memref_slice %arg7[%dma_start3A_616, %dma_start3A_618, %dma_start3A_619] : memref<4x4x6656xf32, #tpu.memory_space<vmem>> -> memref<1x4x1664xf32, #tpu.memory_space<vmem>>
        %dma_start3A_621 = tpu.memref_squeeze %dma_start3A_620 : memref<1x4x1664xf32, #tpu.memory_space<vmem>> -> memref<4x1664xf32, #tpu.memory_space<vmem>>
        %dma_start3A_622 = arith.constant 0 : i32
        %dma_start3A_623 = tpu.memref_slice %arg3[%add3A_599, %dma_start3A_622] : memref<16384x1664xf32, #tpu.memory_space<hbm>> -> memref<4x1664xf32, #tpu.memory_space<hbm>>
        %dma_start3A_624 = tpu.memref_slice %arg8[%dma_start3A_617] : memref<4x!tpu.dma_semaphore, #tpu.memory_space<semaphore_mem>> -> memref<1x!tpu.dma_semaphore, #tpu.memory_space<semaphore_mem>>
        %dma_start3A_625 = tpu.memref_squeeze %dma_start3A_624 : memref<1x!tpu.dma_semaphore, #tpu.memory_space<semaphore_mem>> -> memref<!tpu.dma_semaphore, #tpu.memory_space<semaphore_mem>>
        %dma_start3A_626 = arith.constant 0 : i32
        %dma_start3A_627 = arith.constant 1664 : i32
        %dma_start3A_628 = tpu.memref_slice %arg7[%dma_start3A_616, %dma_start3A_626, %dma_start3A_627] : memref<4x4x6656xf32, #tpu.memory_space<vmem>> -> memref<1x4x1664xf32, #tpu.memory_space<vmem>>
        %dma_start3A_629 = tpu.memref_squeeze %dma_start3A_628 : memref<1x4x1664xf32, #tpu.memory_space<vmem>> -> memref<4x1664xf32, #tpu.memory_space<vmem>>
        %dma_start3A_630 = arith.constant 0 : i32
        %dma_start3A_631 = tpu.memref_slice %arg3[%add3A_599, %dma_start3A_630] : memref<16384x1664xf32, #tpu.memory_space<hbm>> -> memref<4x1664xf32, #tpu.memory_space<hbm>>
        tpu.enqueue_dma source(%dma_start3A_631 : memref<4x1664xf32, #tpu.memory_space<hbm>>) target(%dma_start3A_629 : memref<4x1664xf32, #tpu.memory_space<vmem>>) target_semaphore(%dma_start3A_625 : memref<!tpu.dma_semaphore, #tpu.memory_space<semaphore_mem>>)
        %dma_start3A_632 = arith.constant 0 : i32
        %dma_start3A_633 = arith.constant 0 : i32
        %dma_start3A_634 = arith.constant 0 : i32
        %dma_start3A_635 = arith.constant 3328 : i32
        %dma_start3A_636 = tpu.memref_slice %arg7[%dma_start3A_632, %dma_start3A_634, %dma_start3A_635] : memref<4x4x6656xf32, #tpu.memory_space<vmem>> -> memref<1x4x1664xf32, #tpu.memory_space<vmem>>
        %dma_start3A_637 = tpu.memref_squeeze %dma_start3A_636 : memref<1x4x1664xf32, #tpu.memory_space<vmem>> -> memref<4x1664xf32, #tpu.memory_space<vmem>>
        %dma_start3A_638 = arith.constant 0 : i32
        %dma_start3A_639 = tpu.memref_slice %arg4[%add3A_599, %dma_start3A_638] : memref<16384x1664xf32, #tpu.memory_space<hbm>> -> memref<4x1664xf32, #tpu.memory_space<hbm>>
        %dma_start3A_640 = tpu.memref_slice %arg8[%dma_start3A_633] : memref<4x!tpu.dma_semaphore, #tpu.memory_space<semaphore_mem>> -> memref<1x!tpu.dma_semaphore, #tpu.memory_space<semaphore_mem>>
        %dma_start3A_641 = tpu.memref_squeeze %dma_start3A_640 : memref<1x!tpu.dma_semaphore, #tpu.memory_space<semaphore_mem>> -> memref<!tpu.dma_semaphore, #tpu.memory_space<semaphore_mem>>
        %dma_start3A_642 = arith.constant 0 : i32
        %dma_start3A_643 = arith.constant 3328 : i32
        %dma_start3A_644 = tpu.memref_slice %arg7[%dma_start3A_632, %dma_start3A_642, %dma_start3A_643] : memref<4x4x6656xf32, #tpu.memory_space<vmem>> -> memref<1x4x1664xf32, #tpu.memory_space<vmem>>
        %dma_start3A_645 = tpu.memref_squeeze %dma_start3A_644 : memref<1x4x1664xf32, #tpu.memory_space<vmem>> -> memref<4x1664xf32, #tpu.memory_space<vmem>>
        %dma_start3A_646 = arith.constant 0 : i32
        %dma_start3A_647 = tpu.memref_slice %arg4[%add3A_599, %dma_start3A_646] : memref<16384x1664xf32, #tpu.memory_space<hbm>> -> memref<4x1664xf32, #tpu.memory_space<hbm>>
        tpu.enqueue_dma source(%dma_start3A_647 : memref<4x1664xf32, #tpu.memory_space<hbm>>) target(%dma_start3A_645 : memref<4x1664xf32, #tpu.memory_space<vmem>>) target_semaphore(%dma_start3A_641 : memref<!tpu.dma_semaphore, #tpu.memory_space<semaphore_mem>>)
        %dma_start3A_648 = arith.constant 0 : i32
        %dma_start3A_649 = arith.constant 0 : i32
        %dma_start3A_650 = arith.constant 0 : i32
        %dma_start3A_651 = arith.constant 4992 : i32
        %dma_start3A_652 = tpu.memref_slice %arg7[%dma_start3A_648, %dma_start3A_650, %dma_start3A_651] : memref<4x4x6656xf32, #tpu.memory_space<vmem>> -> memref<1x4x1664xf32, #tpu.memory_space<vmem>>
        %dma_start3A_653 = tpu.memref_squeeze %dma_start3A_652 : memref<1x4x1664xf32, #tpu.memory_space<vmem>> -> memref<4x1664xf32, #tpu.memory_space<vmem>>
        %dma_start3A_654 = arith.constant 0 : i32
        %dma_start3A_655 = tpu.memref_slice %arg5[%add3A_599, %dma_start3A_654] : memref<16384x1664xf32, #tpu.memory_space<hbm>> -> memref<4x1664xf32, #tpu.memory_space<hbm>>
        %dma_start3A_656 = tpu.memref_slice %arg8[%dma_start3A_649] : memref<4x!tpu.dma_semaphore, #tpu.memory_space<semaphore_mem>> -> memref<1x!tpu.dma_semaphore, #tpu.memory_space<semaphore_mem>>
        %dma_start3A_657 = tpu.memref_squeeze %dma_start3A_656 : memref<1x!tpu.dma_semaphore, #tpu.memory_space<semaphore_mem>> -> memref<!tpu.dma_semaphore, #tpu.memory_space<semaphore_mem>>
        %dma_start3A_658 = arith.constant 0 : i32
        %dma_start3A_659 = arith.constant 4992 : i32
        %dma_start3A_660 = tpu.memref_slice %arg7[%dma_start3A_648, %dma_start3A_658, %dma_start3A_659] : memref<4x4x6656xf32, #tpu.memory_space<vmem>> -> memref<1x4x1664xf32, #tpu.memory_space<vmem>>
        %dma_start3A_661 = tpu.memref_squeeze %dma_start3A_660 : memref<1x4x1664xf32, #tpu.memory_space<vmem>> -> memref<4x1664xf32, #tpu.memory_space<vmem>>
        %dma_start3A_662 = arith.constant 0 : i32
        %dma_start3A_663 = tpu.memref_slice %arg5[%add3A_599, %dma_start3A_662] : memref<16384x1664xf32, #tpu.memory_space<hbm>> -> memref<4x1664xf32, #tpu.memory_space<hbm>>
        tpu.enqueue_dma source(%dma_start3A_663 : memref<4x1664xf32, #tpu.memory_space<hbm>>) target(%dma_start3A_661 : memref<4x1664xf32, #tpu.memory_space<vmem>>) target_semaphore(%dma_start3A_657 : memref<!tpu.dma_semaphore, #tpu.memory_space<semaphore_mem>>)
      } else {
      }
      %add3A_496 = arith.constant 3 : i32
      %add3A_497 = arith.addi %add3A_213, %add3A_496 : i32
      %mul3A_498 = arith.constant 4 : i32
      %mul3A_499 = arith.muli %add3A_497, %mul3A_498 : i32
      %add3A_500 = arith.addi %mul3A_2, %mul3A_499 : i32
      %dma_wait3A_501 = arith.constant 3 : i32
      %dma_wait3A_502 = arith.constant 3 : i32
      %dma_wait3A_503 = arith.constant 0 : i32
      %dma_wait3A_504 = arith.constant 0 : i32
      %dma_wait3A_505 = tpu.memref_slice %arg7[%dma_wait3A_501, %dma_wait3A_503, %dma_wait3A_504] : memref<4x4x6656xf32, #tpu.memory_space<vmem>> -> memref<1x4x1664xf32, #tpu.memory_space<vmem>>
      %dma_wait3A_506 = tpu.memref_squeeze %dma_wait3A_505 : memref<1x4x1664xf32, #tpu.memory_space<vmem>> -> memref<4x1664xf32, #tpu.memory_space<vmem>>
      %dma_wait3A_507 = arith.constant 0 : i32
      %dma_wait3A_508 = tpu.memref_slice %arg2[%add3A_500, %dma_wait3A_507] : memref<16384x1664xf32, #tpu.memory_space<hbm>> -> memref<4x1664xf32, #tpu.memory_space<hbm>>
      %dma_wait3A_509 = tpu.memref_slice %arg8[%dma_wait3A_502] : memref<4x!tpu.dma_semaphore, #tpu.memory_space<semaphore_mem>> -> memref<1x!tpu.dma_semaphore, #tpu.memory_space<semaphore_mem>>
      %dma_wait3A_510 = tpu.memref_squeeze %dma_wait3A_509 : memref<1x!tpu.dma_semaphore, #tpu.memory_space<semaphore_mem>> -> memref<!tpu.dma_semaphore, #tpu.memory_space<semaphore_mem>>
      %dma_wait3A_511 = arith.constant 0 : i32
      %dma_wait3A_512 = arith.constant 0 : i32
      %dma_wait3A_513 = tpu.memref_slice %arg7[%dma_wait3A_501, %dma_wait3A_511, %dma_wait3A_512] : memref<4x4x6656xf32, #tpu.memory_space<vmem>> -> memref<1x4x1664xf32, #tpu.memory_space<vmem>>
      %dma_wait3A_514 = tpu.memref_squeeze %dma_wait3A_513 : memref<1x4x1664xf32, #tpu.memory_space<vmem>> -> memref<4x1664xf32, #tpu.memory_space<vmem>>
      %dma_wait3A_515 = arith.constant 0 : i32
      %dma_wait3A_516 = tpu.memref_slice %arg2[%add3A_500, %dma_wait3A_515] : memref<16384x1664xf32, #tpu.memory_space<hbm>> -> memref<4x1664xf32, #tpu.memory_space<hbm>>
      tpu.wait_dma2 semaphore(%dma_wait3A_510 : memref<!tpu.dma_semaphore, #tpu.memory_space<semaphore_mem>>) src(%dma_wait3A_516 : memref<4x1664xf32, #tpu.memory_space<hbm>>) dst(%dma_wait3A_514 : memref<4x1664xf32, #tpu.memory_space<vmem>>)
      %dma_wait3A_517 = arith.constant 3 : i32
      %dma_wait3A_518 = arith.constant 3 : i32
      %dma_wait3A_519 = arith.constant 0 : i32
      %dma_wait3A_520 = arith.constant 1664 : i32
      %dma_wait3A_521 = tpu.memref_slice %arg7[%dma_wait3A_517, %dma_wait3A_519, %dma_wait3A_520] : memref<4x4x6656xf32, #tpu.memory_space<vmem>> -> memref<1x4x1664xf32, #tpu.memory_space<vmem>>
      %dma_wait3A_522 = tpu.memref_squeeze %dma_wait3A_521 : memref<1x4x1664xf32, #tpu.memory_space<vmem>> -> memref<4x1664xf32, #tpu.memory_space<vmem>>
      %dma_wait3A_523 = arith.constant 0 : i32
      %dma_wait3A_524 = tpu.memref_slice %arg3[%add3A_500, %dma_wait3A_523] : memref<16384x1664xf32, #tpu.memory_space<hbm>> -> memref<4x1664xf32, #tpu.memory_space<hbm>>
      %dma_wait3A_525 = tpu.memref_slice %arg8[%dma_wait3A_518] : memref<4x!tpu.dma_semaphore, #tpu.memory_space<semaphore_mem>> -> memref<1x!tpu.dma_semaphore, #tpu.memory_space<semaphore_mem>>
      %dma_wait3A_526 = tpu.memref_squeeze %dma_wait3A_525 : memref<1x!tpu.dma_semaphore, #tpu.memory_space<semaphore_mem>> -> memref<!tpu.dma_semaphore, #tpu.memory_space<semaphore_mem>>
      %dma_wait3A_527 = arith.constant 0 : i32
      %dma_wait3A_528 = arith.constant 1664 : i32
      %dma_wait3A_529 = tpu.memref_slice %arg7[%dma_wait3A_517, %dma_wait3A_527, %dma_wait3A_528] : memref<4x4x6656xf32, #tpu.memory_space<vmem>> -> memref<1x4x1664xf32, #tpu.memory_space<vmem>>
      %dma_wait3A_530 = tpu.memref_squeeze %dma_wait3A_529 : memref<1x4x1664xf32, #tpu.memory_space<vmem>> -> memref<4x1664xf32, #tpu.memory_space<vmem>>
      %dma_wait3A_531 = arith.constant 0 : i32
      %dma_wait3A_532 = tpu.memref_slice %arg3[%add3A_500, %dma_wait3A_531] : memref<16384x1664xf32, #tpu.memory_space<hbm>> -> memref<4x1664xf32, #tpu.memory_space<hbm>>
      tpu.wait_dma2 semaphore(%dma_wait3A_526 : memref<!tpu.dma_semaphore, #tpu.memory_space<semaphore_mem>>) src(%dma_wait3A_532 : memref<4x1664xf32, #tpu.memory_space<hbm>>) dst(%dma_wait3A_530 : memref<4x1664xf32, #tpu.memory_space<vmem>>)
      %dma_wait3A_533 = arith.constant 3 : i32
      %dma_wait3A_534 = arith.constant 3 : i32
      %dma_wait3A_535 = arith.constant 0 : i32
      %dma_wait3A_536 = arith.constant 3328 : i32
      %dma_wait3A_537 = tpu.memref_slice %arg7[%dma_wait3A_533, %dma_wait3A_535, %dma_wait3A_536] : memref<4x4x6656xf32, #tpu.memory_space<vmem>> -> memref<1x4x1664xf32, #tpu.memory_space<vmem>>
      %dma_wait3A_538 = tpu.memref_squeeze %dma_wait3A_537 : memref<1x4x1664xf32, #tpu.memory_space<vmem>> -> memref<4x1664xf32, #tpu.memory_space<vmem>>
      %dma_wait3A_539 = arith.constant 0 : i32
      %dma_wait3A_540 = tpu.memref_slice %arg4[%add3A_500, %dma_wait3A_539] : memref<16384x1664xf32, #tpu.memory_space<hbm>> -> memref<4x1664xf32, #tpu.memory_space<hbm>>
      %dma_wait3A_541 = tpu.memref_slice %arg8[%dma_wait3A_534] : memref<4x!tpu.dma_semaphore, #tpu.memory_space<semaphore_mem>> -> memref<1x!tpu.dma_semaphore, #tpu.memory_space<semaphore_mem>>
      %dma_wait3A_542 = tpu.memref_squeeze %dma_wait3A_541 : memref<1x!tpu.dma_semaphore, #tpu.memory_space<semaphore_mem>> -> memref<!tpu.dma_semaphore, #tpu.memory_space<semaphore_mem>>
      %dma_wait3A_543 = arith.constant 0 : i32
      %dma_wait3A_544 = arith.constant 3328 : i32
      %dma_wait3A_545 = tpu.memref_slice %arg7[%dma_wait3A_533, %dma_wait3A_543, %dma_wait3A_544] : memref<4x4x6656xf32, #tpu.memory_space<vmem>> -> memref<1x4x1664xf32, #tpu.memory_space<vmem>>
      %dma_wait3A_546 = tpu.memref_squeeze %dma_wait3A_545 : memref<1x4x1664xf32, #tpu.memory_space<vmem>> -> memref<4x1664xf32, #tpu.memory_space<vmem>>
      %dma_wait3A_547 = arith.constant 0 : i32
      %dma_wait3A_548 = tpu.memref_slice %arg4[%add3A_500, %dma_wait3A_547] : memref<16384x1664xf32, #tpu.memory_space<hbm>> -> memref<4x1664xf32, #tpu.memory_space<hbm>>
      tpu.wait_dma2 semaphore(%dma_wait3A_542 : memref<!tpu.dma_semaphore, #tpu.memory_space<semaphore_mem>>) src(%dma_wait3A_548 : memref<4x1664xf32, #tpu.memory_space<hbm>>) dst(%dma_wait3A_546 : memref<4x1664xf32, #tpu.memory_space<vmem>>)
      %dma_wait3A_549 = arith.constant 3 : i32
      %dma_wait3A_550 = arith.constant 3 : i32
      %dma_wait3A_551 = arith.constant 0 : i32
      %dma_wait3A_552 = arith.constant 4992 : i32
      %dma_wait3A_553 = tpu.memref_slice %arg7[%dma_wait3A_549, %dma_wait3A_551, %dma_wait3A_552] : memref<4x4x6656xf32, #tpu.memory_space<vmem>> -> memref<1x4x1664xf32, #tpu.memory_space<vmem>>
      %dma_wait3A_554 = tpu.memref_squeeze %dma_wait3A_553 : memref<1x4x1664xf32, #tpu.memory_space<vmem>> -> memref<4x1664xf32, #tpu.memory_space<vmem>>
      %dma_wait3A_555 = arith.constant 0 : i32
      %dma_wait3A_556 = tpu.memref_slice %arg5[%add3A_500, %dma_wait3A_555] : memref<16384x1664xf32, #tpu.memory_space<hbm>> -> memref<4x1664xf32, #tpu.memory_space<hbm>>
      %dma_wait3A_557 = tpu.memref_slice %arg8[%dma_wait3A_550] : memref<4x!tpu.dma_semaphore, #tpu.memory_space<semaphore_mem>> -> memref<1x!tpu.dma_semaphore, #tpu.memory_space<semaphore_mem>>
      %dma_wait3A_558 = tpu.memref_squeeze %dma_wait3A_557 : memref<1x!tpu.dma_semaphore, #tpu.memory_space<semaphore_mem>> -> memref<!tpu.dma_semaphore, #tpu.memory_space<semaphore_mem>>
      %dma_wait3A_559 = arith.constant 0 : i32
      %dma_wait3A_560 = arith.constant 4992 : i32
      %dma_wait3A_561 = tpu.memref_slice %arg7[%dma_wait3A_549, %dma_wait3A_559, %dma_wait3A_560] : memref<4x4x6656xf32, #tpu.memory_space<vmem>> -> memref<1x4x1664xf32, #tpu.memory_space<vmem>>
      %dma_wait3A_562 = tpu.memref_squeeze %dma_wait3A_561 : memref<1x4x1664xf32, #tpu.memory_space<vmem>> -> memref<4x1664xf32, #tpu.memory_space<vmem>>
      %dma_wait3A_563 = arith.constant 0 : i32
      %dma_wait3A_564 = tpu.memref_slice %arg5[%add3A_500, %dma_wait3A_563] : memref<16384x1664xf32, #tpu.memory_space<hbm>> -> memref<4x1664xf32, #tpu.memory_space<hbm>>
      tpu.wait_dma2 semaphore(%dma_wait3A_558 : memref<!tpu.dma_semaphore, #tpu.memory_space<semaphore_mem>>) src(%dma_wait3A_564 : memref<4x1664xf32, #tpu.memory_space<hbm>>) dst(%dma_wait3A_562 : memref<4x1664xf32, #tpu.memory_space<vmem>>)
      %mul3A_565 = arith.constant 4 : i32
      %mul3A_566 = arith.muli %add3A_497, %mul3A_565 : i32
      %add3A_567 = arith.addi %mul3A_2, %mul3A_566 : i32
      %dma_start3A_568 = arith.constant 3 : i32
      %dma_start3A_569 = arith.constant 3 : i32
      %dma_start3A_570 = arith.constant 0 : i32
      %dma_start3A_571 = arith.constant 0 : i32
      %dma_start3A_572 = tpu.memref_slice %arg7[%dma_start3A_568, %dma_start3A_570, %dma_start3A_571] : memref<4x4x6656xf32, #tpu.memory_space<vmem>> -> memref<1x4x6656xf32, #tpu.memory_space<vmem>>
      %dma_start3A_573 = tpu.memref_squeeze %dma_start3A_572 : memref<1x4x6656xf32, #tpu.memory_space<vmem>> -> memref<4x6656xf32, #tpu.memory_space<vmem>>
      %dma_start3A_574 = arith.constant 0 : i32
      %dma_start3A_575 = tpu.memref_slice %arg6[%add3A_567, %dma_start3A_574] : memref<16384x6656xf32, #tpu.memory_space<hbm>> -> memref<4x6656xf32, #tpu.memory_space<hbm>>
      %dma_start3A_576 = tpu.memref_slice %arg9[%dma_start3A_569] : memref<4x!tpu.dma_semaphore, #tpu.memory_space<semaphore_mem>> -> memref<1x!tpu.dma_semaphore, #tpu.memory_space<semaphore_mem>>
      %dma_start3A_577 = tpu.memref_squeeze %dma_start3A_576 : memref<1x!tpu.dma_semaphore, #tpu.memory_space<semaphore_mem>> -> memref<!tpu.dma_semaphore, #tpu.memory_space<semaphore_mem>>
      %dma_start3A_578 = arith.constant 0 : i32
      %dma_start3A_579 = tpu.memref_slice %arg6[%add3A_567, %dma_start3A_578] : memref<16384x6656xf32, #tpu.memory_space<hbm>> -> memref<4x6656xf32, #tpu.memory_space<hbm>>
      %dma_start3A_580 = arith.constant 0 : i32
      %dma_start3A_581 = arith.constant 0 : i32
      %dma_start3A_582 = tpu.memref_slice %arg7[%dma_start3A_568, %dma_start3A_580, %dma_start3A_581] : memref<4x4x6656xf32, #tpu.memory_space<vmem>> -> memref<1x4x6656xf32, #tpu.memory_space<vmem>>
      %dma_start3A_583 = tpu.memref_squeeze %dma_start3A_582 : memref<1x4x6656xf32, #tpu.memory_space<vmem>> -> memref<4x6656xf32, #tpu.memory_space<vmem>>
      tpu.enqueue_dma source(%dma_start3A_583 : memref<4x6656xf32, #tpu.memory_space<vmem>>) target(%dma_start3A_579 : memref<4x6656xf32, #tpu.memory_space<hbm>>) target_semaphore(%dma_start3A_577 : memref<!tpu.dma_semaphore, #tpu.memory_space<semaphore_mem>>)
      %add3A_584 = arith.constant 2 : i32
      %add3A_585 = arith.addi %add3A_497, %add3A_584 : i32
      %lt3A_586 = arith.constant 128 : i32
      %lt3A_587 = arith.cmpi slt, %add3A_585, %lt3A_586 : i32
      %convert_element_type3A_588 = arith.extui %lt3A_587 : i1 to i32
      %cond3A_589 = arith.constant 0 : i32
      %cond3A_590 = arith.cmpi ne, %convert_element_type3A_588, %cond3A_589 : i32
      scf.if %cond3A_590 {
        %ge3A = arith.constant 2 : i32
        %ge3A_591 = arith.cmpi sge, %add3A_497, %ge3A : i32
        %convert_element_type3A_592 = arith.extui %ge3A_591 : i1 to i32
        %cond3A_593 = arith.constant 0 : i32
        %cond3A_594 = arith.cmpi ne, %convert_element_type3A_592, %cond3A_593 : i32
        scf.if %cond3A_594 {
          %add3A_664 = arith.constant 0 : i32
          %add3A_665 = arith.addi %mul3A_2, %add3A_664 : i32
          %dma_wait3A_666 = arith.constant 1 : i32
          %dma_wait3A_667 = arith.constant 1 : i32
          %dma_wait3A_668 = arith.constant 0 : i32
          %dma_wait3A_669 = arith.constant 0 : i32
          %dma_wait3A_670 = tpu.memref_slice %arg7[%dma_wait3A_666, %dma_wait3A_668, %dma_wait3A_669] : memref<4x4x6656xf32, #tpu.memory_space<vmem>> -> memref<1x4x6656xf32, #tpu.memory_space<vmem>>
          %dma_wait3A_671 = tpu.memref_squeeze %dma_wait3A_670 : memref<1x4x6656xf32, #tpu.memory_space<vmem>> -> memref<4x6656xf32, #tpu.memory_space<vmem>>
          %dma_wait3A_672 = arith.constant 0 : i32
          %dma_wait3A_673 = tpu.memref_slice %arg6[%add3A_665, %dma_wait3A_672] : memref<16384x6656xf32, #tpu.memory_space<hbm>> -> memref<4x6656xf32, #tpu.memory_space<hbm>>
          %dma_wait3A_674 = tpu.memref_slice %arg9[%dma_wait3A_667] : memref<4x!tpu.dma_semaphore, #tpu.memory_space<semaphore_mem>> -> memref<1x!tpu.dma_semaphore, #tpu.memory_space<semaphore_mem>>
          %dma_wait3A_675 = tpu.memref_squeeze %dma_wait3A_674 : memref<1x!tpu.dma_semaphore, #tpu.memory_space<semaphore_mem>> -> memref<!tpu.dma_semaphore, #tpu.memory_space<semaphore_mem>>
          %dma_wait3A_676 = arith.constant 0 : i32
          %dma_wait3A_677 = tpu.memref_slice %arg6[%add3A_665, %dma_wait3A_676] : memref<16384x6656xf32, #tpu.memory_space<hbm>> -> memref<4x6656xf32, #tpu.memory_space<hbm>>
          %dma_wait3A_678 = arith.constant 0 : i32
          %dma_wait3A_679 = arith.constant 0 : i32
          %dma_wait3A_680 = tpu.memref_slice %arg7[%dma_wait3A_666, %dma_wait3A_678, %dma_wait3A_679] : memref<4x4x6656xf32, #tpu.memory_space<vmem>> -> memref<1x4x6656xf32, #tpu.memory_space<vmem>>
          %dma_wait3A_681 = tpu.memref_squeeze %dma_wait3A_680 : memref<1x4x6656xf32, #tpu.memory_space<vmem>> -> memref<4x6656xf32, #tpu.memory_space<vmem>>
          tpu.wait_dma2 semaphore(%dma_wait3A_675 : memref<!tpu.dma_semaphore, #tpu.memory_space<semaphore_mem>>) src(%dma_wait3A_681 : memref<4x6656xf32, #tpu.memory_space<vmem>>) dst(%dma_wait3A_677 : memref<4x6656xf32, #tpu.memory_space<hbm>>)
        } else {
        }
        %add3A_595 = arith.constant 2 : i32
        %add3A_596 = arith.addi %add3A_497, %add3A_595 : i32
        %mul3A_597 = arith.constant 4 : i32
        %mul3A_598 = arith.muli %add3A_596, %mul3A_597 : i32
        %add3A_599 = arith.addi %mul3A_2, %mul3A_598 : i32
        %dma_start3A_600 = arith.constant 1 : i32
        %dma_start3A_601 = arith.constant 1 : i32
        %dma_start3A_602 = arith.constant 0 : i32
        %dma_start3A_603 = arith.constant 0 : i32
        %dma_start3A_604 = tpu.memref_slice %arg7[%dma_start3A_600, %dma_start3A_602, %dma_start3A_603] : memref<4x4x6656xf32, #tpu.memory_space<vmem>> -> memref<1x4x1664xf32, #tpu.memory_space<vmem>>
        %dma_start3A_605 = tpu.memref_squeeze %dma_start3A_604 : memref<1x4x1664xf32, #tpu.memory_space<vmem>> -> memref<4x1664xf32, #tpu.memory_space<vmem>>
        %dma_start3A_606 = arith.constant 0 : i32
        %dma_start3A_607 = tpu.memref_slice %arg2[%add3A_599, %dma_start3A_606] : memref<16384x1664xf32, #tpu.memory_space<hbm>> -> memref<4x1664xf32, #tpu.memory_space<hbm>>
        %dma_start3A_608 = tpu.memref_slice %arg8[%dma_start3A_601] : memref<4x!tpu.dma_semaphore, #tpu.memory_space<semaphore_mem>> -> memref<1x!tpu.dma_semaphore, #tpu.memory_space<semaphore_mem>>
        %dma_start3A_609 = tpu.memref_squeeze %dma_start3A_608 : memref<1x!tpu.dma_semaphore, #tpu.memory_space<semaphore_mem>> -> memref<!tpu.dma_semaphore, #tpu.memory_space<semaphore_mem>>
        %dma_start3A_610 = arith.constant 0 : i32
        %dma_start3A_611 = arith.constant 0 : i32
        %dma_start3A_612 = tpu.memref_slice %arg7[%dma_start3A_600, %dma_start3A_610, %dma_start3A_611] : memref<4x4x6656xf32, #tpu.memory_space<vmem>> -> memref<1x4x1664xf32, #tpu.memory_space<vmem>>
        %dma_start3A_613 = tpu.memref_squeeze %dma_start3A_612 : memref<1x4x1664xf32, #tpu.memory_space<vmem>> -> memref<4x1664xf32, #tpu.memory_space<vmem>>
        %dma_start3A_614 = arith.constant 0 : i32
        %dma_start3A_615 = tpu.memref_slice %arg2[%add3A_599, %dma_start3A_614] : memref<16384x1664xf32, #tpu.memory_space<hbm>> -> memref<4x1664xf32, #tpu.memory_space<hbm>>
        tpu.enqueue_dma source(%dma_start3A_615 : memref<4x1664xf32, #tpu.memory_space<hbm>>) target(%dma_start3A_613 : memref<4x1664xf32, #tpu.memory_space<vmem>>) target_semaphore(%dma_start3A_609 : memref<!tpu.dma_semaphore, #tpu.memory_space<semaphore_mem>>)
        %dma_start3A_616 = arith.constant 1 : i32
        %dma_start3A_617 = arith.constant 1 : i32
        %dma_start3A_618 = arith.constant 0 : i32
        %dma_start3A_619 = arith.constant 1664 : i32
        %dma_start3A_620 = tpu.memref_slice %arg7[%dma_start3A_616, %dma_start3A_618, %dma_start3A_619] : memref<4x4x6656xf32, #tpu.memory_space<vmem>> -> memref<1x4x1664xf32, #tpu.memory_space<vmem>>
        %dma_start3A_621 = tpu.memref_squeeze %dma_start3A_620 : memref<1x4x1664xf32, #tpu.memory_space<vmem>> -> memref<4x1664xf32, #tpu.memory_space<vmem>>
        %dma_start3A_622 = arith.constant 0 : i32
        %dma_start3A_623 = tpu.memref_slice %arg3[%add3A_599, %dma_start3A_622] : memref<16384x1664xf32, #tpu.memory_space<hbm>> -> memref<4x1664xf32, #tpu.memory_space<hbm>>
        %dma_start3A_624 = tpu.memref_slice %arg8[%dma_start3A_617] : memref<4x!tpu.dma_semaphore, #tpu.memory_space<semaphore_mem>> -> memref<1x!tpu.dma_semaphore, #tpu.memory_space<semaphore_mem>>
        %dma_start3A_625 = tpu.memref_squeeze %dma_start3A_624 : memref<1x!tpu.dma_semaphore, #tpu.memory_space<semaphore_mem>> -> memref<!tpu.dma_semaphore, #tpu.memory_space<semaphore_mem>>
        %dma_start3A_626 = arith.constant 0 : i32
        %dma_start3A_627 = arith.constant 1664 : i32
        %dma_start3A_628 = tpu.memref_slice %arg7[%dma_start3A_616, %dma_start3A_626, %dma_start3A_627] : memref<4x4x6656xf32, #tpu.memory_space<vmem>> -> memref<1x4x1664xf32, #tpu.memory_space<vmem>>
        %dma_start3A_629 = tpu.memref_squeeze %dma_start3A_628 : memref<1x4x1664xf32, #tpu.memory_space<vmem>> -> memref<4x1664xf32, #tpu.memory_space<vmem>>
        %dma_start3A_630 = arith.constant 0 : i32
        %dma_start3A_631 = tpu.memref_slice %arg3[%add3A_599, %dma_start3A_630] : memref<16384x1664xf32, #tpu.memory_space<hbm>> -> memref<4x1664xf32, #tpu.memory_space<hbm>>
        tpu.enqueue_dma source(%dma_start3A_631 : memref<4x1664xf32, #tpu.memory_space<hbm>>) target(%dma_start3A_629 : memref<4x1664xf32, #tpu.memory_space<vmem>>) target_semaphore(%dma_start3A_625 : memref<!tpu.dma_semaphore, #tpu.memory_space<semaphore_mem>>)
        %dma_start3A_632 = arith.constant 1 : i32
        %dma_start3A_633 = arith.constant 1 : i32
        %dma_start3A_634 = arith.constant 0 : i32
        %dma_start3A_635 = arith.constant 3328 : i32
        %dma_start3A_636 = tpu.memref_slice %arg7[%dma_start3A_632, %dma_start3A_634, %dma_start3A_635] : memref<4x4x6656xf32, #tpu.memory_space<vmem>> -> memref<1x4x1664xf32, #tpu.memory_space<vmem>>
        %dma_start3A_637 = tpu.memref_squeeze %dma_start3A_636 : memref<1x4x1664xf32, #tpu.memory_space<vmem>> -> memref<4x1664xf32, #tpu.memory_space<vmem>>
        %dma_start3A_638 = arith.constant 0 : i32
        %dma_start3A_639 = tpu.memref_slice %arg4[%add3A_599, %dma_start3A_638] : memref<16384x1664xf32, #tpu.memory_space<hbm>> -> memref<4x1664xf32, #tpu.memory_space<hbm>>
        %dma_start3A_640 = tpu.memref_slice %arg8[%dma_start3A_633] : memref<4x!tpu.dma_semaphore, #tpu.memory_space<semaphore_mem>> -> memref<1x!tpu.dma_semaphore, #tpu.memory_space<semaphore_mem>>
        %dma_start3A_641 = tpu.memref_squeeze %dma_start3A_640 : memref<1x!tpu.dma_semaphore, #tpu.memory_space<semaphore_mem>> -> memref<!tpu.dma_semaphore, #tpu.memory_space<semaphore_mem>>
        %dma_start3A_642 = arith.constant 0 : i32
        %dma_start3A_643 = arith.constant 3328 : i32
        %dma_start3A_644 = tpu.memref_slice %arg7[%dma_start3A_632, %dma_start3A_642, %dma_start3A_643] : memref<4x4x6656xf32, #tpu.memory_space<vmem>> -> memref<1x4x1664xf32, #tpu.memory_space<vmem>>
        %dma_start3A_645 = tpu.memref_squeeze %dma_start3A_644 : memref<1x4x1664xf32, #tpu.memory_space<vmem>> -> memref<4x1664xf32, #tpu.memory_space<vmem>>
        %dma_start3A_646 = arith.constant 0 : i32
        %dma_start3A_647 = tpu.memref_slice %arg4[%add3A_599, %dma_start3A_646] : memref<16384x1664xf32, #tpu.memory_space<hbm>> -> memref<4x1664xf32, #tpu.memory_space<hbm>>
        tpu.enqueue_dma source(%dma_start3A_647 : memref<4x1664xf32, #tpu.memory_space<hbm>>) target(%dma_start3A_645 : memref<4x1664xf32, #tpu.memory_space<vmem>>) target_semaphore(%dma_start3A_641 : memref<!tpu.dma_semaphore, #tpu.memory_space<semaphore_mem>>)
        %dma_start3A_648 = arith.constant 1 : i32
        %dma_start3A_649 = arith.constant 1 : i32
        %dma_start3A_650 = arith.constant 0 : i32
        %dma_start3A_651 = arith.constant 4992 : i32
        %dma_start3A_652 = tpu.memref_slice %arg7[%dma_start3A_648, %dma_start3A_650, %dma_start3A_651] : memref<4x4x6656xf32, #tpu.memory_space<vmem>> -> memref<1x4x1664xf32, #tpu.memory_space<vmem>>
        %dma_start3A_653 = tpu.memref_squeeze %dma_start3A_652 : memref<1x4x1664xf32, #tpu.memory_space<vmem>> -> memref<4x1664xf32, #tpu.memory_space<vmem>>
        %dma_start3A_654 = arith.constant 0 : i32
        %dma_start3A_655 = tpu.memref_slice %arg5[%add3A_599, %dma_start3A_654] : memref<16384x1664xf32, #tpu.memory_space<hbm>> -> memref<4x1664xf32, #tpu.memory_space<hbm>>
        %dma_start3A_656 = tpu.memref_slice %arg8[%dma_start3A_649] : memref<4x!tpu.dma_semaphore, #tpu.memory_space<semaphore_mem>> -> memref<1x!tpu.dma_semaphore, #tpu.memory_space<semaphore_mem>>
        %dma_start3A_657 = tpu.memref_squeeze %dma_start3A_656 : memref<1x!tpu.dma_semaphore, #tpu.memory_space<semaphore_mem>> -> memref<!tpu.dma_semaphore, #tpu.memory_space<semaphore_mem>>
        %dma_start3A_658 = arith.constant 0 : i32
        %dma_start3A_659 = arith.constant 4992 : i32
        %dma_start3A_660 = tpu.memref_slice %arg7[%dma_start3A_648, %dma_start3A_658, %dma_start3A_659] : memref<4x4x6656xf32, #tpu.memory_space<vmem>> -> memref<1x4x1664xf32, #tpu.memory_space<vmem>>
        %dma_start3A_661 = tpu.memref_squeeze %dma_start3A_660 : memref<1x4x1664xf32, #tpu.memory_space<vmem>> -> memref<4x1664xf32, #tpu.memory_space<vmem>>
        %dma_start3A_662 = arith.constant 0 : i32
        %dma_start3A_663 = tpu.memref_slice %arg5[%add3A_599, %dma_start3A_662] : memref<16384x1664xf32, #tpu.memory_space<hbm>> -> memref<4x1664xf32, #tpu.memory_space<hbm>>
        tpu.enqueue_dma source(%dma_start3A_663 : memref<4x1664xf32, #tpu.memory_space<hbm>>) target(%dma_start3A_661 : memref<4x1664xf32, #tpu.memory_space<vmem>>) target_semaphore(%dma_start3A_657 : memref<!tpu.dma_semaphore, #tpu.memory_space<semaphore_mem>>)
      } else {
      }
    }
    %scan3A_137 = arith.constant 32 : i32
    %add3A_138 = arith.constant 0 : i32
    %add3A_139 = arith.addi %mul3A_2, %add3A_138 : i32
    %dma_wait3A = arith.constant 0 : i32
    %dma_wait3A_140 = arith.constant 0 : i32
    %dma_wait3A_141 = arith.constant 0 : i32
    %dma_wait3A_142 = arith.constant 0 : i32
    %dma_wait3A_143 = tpu.memref_slice %arg7[%dma_wait3A, %dma_wait3A_141, %dma_wait3A_142] : memref<4x4x6656xf32, #tpu.memory_space<vmem>> -> memref<1x4x6656xf32, #tpu.memory_space<vmem>>
    %dma_wait3A_144 = tpu.memref_squeeze %dma_wait3A_143 : memref<1x4x6656xf32, #tpu.memory_space<vmem>> -> memref<4x6656xf32, #tpu.memory_space<vmem>>
    %dma_wait3A_145 = arith.constant 0 : i32
    %dma_wait3A_146 = tpu.memref_slice %arg6[%add3A_139, %dma_wait3A_145] : memref<16384x6656xf32, #tpu.memory_space<hbm>> -> memref<4x6656xf32, #tpu.memory_space<hbm>>
    %dma_wait3A_147 = tpu.memref_slice %arg9[%dma_wait3A_140] : memref<4x!tpu.dma_semaphore, #tpu.memory_space<semaphore_mem>> -> memref<1x!tpu.dma_semaphore, #tpu.memory_space<semaphore_mem>>
    %dma_wait3A_148 = tpu.memref_squeeze %dma_wait3A_147 : memref<1x!tpu.dma_semaphore, #tpu.memory_space<semaphore_mem>> -> memref<!tpu.dma_semaphore, #tpu.memory_space<semaphore_mem>>
    %dma_wait3A_149 = arith.constant 0 : i32
    %dma_wait3A_150 = tpu.memref_slice %arg6[%add3A_139, %dma_wait3A_149] : memref<16384x6656xf32, #tpu.memory_space<hbm>> -> memref<4x6656xf32, #tpu.memory_space<hbm>>
    %dma_wait3A_151 = arith.constant 0 : i32
    %dma_wait3A_152 = arith.constant 0 : i32
    %dma_wait3A_153 = tpu.memref_slice %arg7[%dma_wait3A, %dma_wait3A_151, %dma_wait3A_152] : memref<4x4x6656xf32, #tpu.memory_space<vmem>> -> memref<1x4x6656xf32, #tpu.memory_space<vmem>>
    %dma_wait3A_154 = tpu.memref_squeeze %dma_wait3A_153 : memref<1x4x6656xf32, #tpu.memory_space<vmem>> -> memref<4x6656xf32, #tpu.memory_space<vmem>>
    tpu.wait_dma2 semaphore(%dma_wait3A_148 : memref<!tpu.dma_semaphore, #tpu.memory_space<semaphore_mem>>) src(%dma_wait3A_154 : memref<4x6656xf32, #tpu.memory_space<vmem>>) dst(%dma_wait3A_150 : memref<4x6656xf32, #tpu.memory_space<hbm>>)
    %add3A_155 = arith.constant 0 : i32
    %add3A_156 = arith.addi %mul3A_2, %add3A_155 : i32
    %dma_wait3A_157 = arith.constant 1 : i32
    %dma_wait3A_158 = arith.constant 1 : i32
    %dma_wait3A_159 = arith.constant 0 : i32
    %dma_wait3A_160 = arith.constant 0 : i32
    %dma_wait3A_161 = tpu.memref_slice %arg7[%dma_wait3A_157, %dma_wait3A_159, %dma_wait3A_160] : memref<4x4x6656xf32, #tpu.memory_space<vmem>> -> memref<1x4x6656xf32, #tpu.memory_space<vmem>>
    %dma_wait3A_162 = tpu.memref_squeeze %dma_wait3A_161 : memref<1x4x6656xf32, #tpu.memory_space<vmem>> -> memref<4x6656xf32, #tpu.memory_space<vmem>>
    %dma_wait3A_163 = arith.constant 0 : i32
    %dma_wait3A_164 = tpu.memref_slice %arg6[%add3A_156, %dma_wait3A_163] : memref<16384x6656xf32, #tpu.memory_space<hbm>> -> memref<4x6656xf32, #tpu.memory_space<hbm>>
    %dma_wait3A_165 = tpu.memref_slice %arg9[%dma_wait3A_158] : memref<4x!tpu.dma_semaphore, #tpu.memory_space<semaphore_mem>> -> memref<1x!tpu.dma_semaphore, #tpu.memory_space<semaphore_mem>>
    %dma_wait3A_166 = tpu.memref_squeeze %dma_wait3A_165 : memref<1x!tpu.dma_semaphore, #tpu.memory_space<semaphore_mem>> -> memref<!tpu.dma_semaphore, #tpu.memory_space<semaphore_mem>>
    %dma_wait3A_167 = arith.constant 0 : i32
    %dma_wait3A_168 = tpu.memref_slice %arg6[%add3A_156, %dma_wait3A_167] : memref<16384x6656xf32, #tpu.memory_space<hbm>> -> memref<4x6656xf32, #tpu.memory_space<hbm>>
    %dma_wait3A_169 = arith.constant 0 : i32
    %dma_wait3A_170 = arith.constant 0 : i32
    %dma_wait3A_171 = tpu.memref_slice %arg7[%dma_wait3A_157, %dma_wait3A_169, %dma_wait3A_170] : memref<4x4x6656xf32, #tpu.memory_space<vmem>> -> memref<1x4x6656xf32, #tpu.memory_space<vmem>>
    %dma_wait3A_172 = tpu.memref_squeeze %dma_wait3A_171 : memref<1x4x6656xf32, #tpu.memory_space<vmem>> -> memref<4x6656xf32, #tpu.memory_space<vmem>>
    tpu.wait_dma2 semaphore(%dma_wait3A_166 : memref<!tpu.dma_semaphore, #tpu.memory_space<semaphore_mem>>) src(%dma_wait3A_172 : memref<4x6656xf32, #tpu.memory_space<vmem>>) dst(%dma_wait3A_168 : memref<4x6656xf32, #tpu.memory_space<hbm>>)
    %add3A_173 = arith.constant 0 : i32
    %add3A_174 = arith.addi %mul3A_2, %add3A_173 : i32
    %dma_wait3A_175 = arith.constant 2 : i32
    %dma_wait3A_176 = arith.constant 2 : i32
    %dma_wait3A_177 = arith.constant 0 : i32
    %dma_wait3A_178 = arith.constant 0 : i32
    %dma_wait3A_179 = tpu.memref_slice %arg7[%dma_wait3A_175, %dma_wait3A_177, %dma_wait3A_178] : memref<4x4x6656xf32, #tpu.memory_space<vmem>> -> memref<1x4x6656xf32, #tpu.memory_space<vmem>>
    %dma_wait3A_180 = tpu.memref_squeeze %dma_wait3A_179 : memref<1x4x6656xf32, #tpu.memory_space<vmem>> -> memref<4x6656xf32, #tpu.memory_space<vmem>>
    %dma_wait3A_181 = arith.constant 0 : i32
    %dma_wait3A_182 = tpu.memref_slice %arg6[%add3A_174, %dma_wait3A_181] : memref<16384x6656xf32, #tpu.memory_space<hbm>> -> memref<4x6656xf32, #tpu.memory_space<hbm>>
    %dma_wait3A_183 = tpu.memref_slice %arg9[%dma_wait3A_176] : memref<4x!tpu.dma_semaphore, #tpu.memory_space<semaphore_mem>> -> memref<1x!tpu.dma_semaphore, #tpu.memory_space<semaphore_mem>>
    %dma_wait3A_184 = tpu.memref_squeeze %dma_wait3A_183 : memref<1x!tpu.dma_semaphore, #tpu.memory_space<semaphore_mem>> -> memref<!tpu.dma_semaphore, #tpu.memory_space<semaphore_mem>>
    %dma_wait3A_185 = arith.constant 0 : i32
    %dma_wait3A_186 = tpu.memref_slice %arg6[%add3A_174, %dma_wait3A_185] : memref<16384x6656xf32, #tpu.memory_space<hbm>> -> memref<4x6656xf32, #tpu.memory_space<hbm>>
    %dma_wait3A_187 = arith.constant 0 : i32
    %dma_wait3A_188 = arith.constant 0 : i32
    %dma_wait3A_189 = tpu.memref_slice %arg7[%dma_wait3A_175, %dma_wait3A_187, %dma_wait3A_188] : memref<4x4x6656xf32, #tpu.memory_space<vmem>> -> memref<1x4x6656xf32, #tpu.memory_space<vmem>>
    %dma_wait3A_190 = tpu.memref_squeeze %dma_wait3A_189 : memref<1x4x6656xf32, #tpu.memory_space<vmem>> -> memref<4x6656xf32, #tpu.memory_space<vmem>>
    tpu.wait_dma2 semaphore(%dma_wait3A_184 : memref<!tpu.dma_semaphore, #tpu.memory_space<semaphore_mem>>) src(%dma_wait3A_190 : memref<4x6656xf32, #tpu.memory_space<vmem>>) dst(%dma_wait3A_186 : memref<4x6656xf32, #tpu.memory_space<hbm>>)
    %add3A_191 = arith.constant 0 : i32
    %add3A_192 = arith.addi %mul3A_2, %add3A_191 : i32
    %dma_wait3A_193 = arith.constant 3 : i32
    %dma_wait3A_194 = arith.constant 3 : i32
    %dma_wait3A_195 = arith.constant 0 : i32
    %dma_wait3A_196 = arith.constant 0 : i32
    %dma_wait3A_197 = tpu.memref_slice %arg7[%dma_wait3A_193, %dma_wait3A_195, %dma_wait3A_196] : memref<4x4x6656xf32, #tpu.memory_space<vmem>> -> memref<1x4x6656xf32, #tpu.memory_space<vmem>>
    %dma_wait3A_198 = tpu.memref_squeeze %dma_wait3A_197 : memref<1x4x6656xf32, #tpu.memory_space<vmem>> -> memref<4x6656xf32, #tpu.memory_space<vmem>>
    %dma_wait3A_199 = arith.constant 0 : i32
    %dma_wait3A_200 = tpu.memref_slice %arg6[%add3A_192, %dma_wait3A_199] : memref<16384x6656xf32, #tpu.memory_space<hbm>> -> memref<4x6656xf32, #tpu.memory_space<hbm>>
    %dma_wait3A_201 = tpu.memref_slice %arg9[%dma_wait3A_194] : memref<4x!tpu.dma_semaphore, #tpu.memory_space<semaphore_mem>> -> memref<1x!tpu.dma_semaphore, #tpu.memory_space<semaphore_mem>>
    %dma_wait3A_202 = tpu.memref_squeeze %dma_wait3A_201 : memref<1x!tpu.dma_semaphore, #tpu.memory_space<semaphore_mem>> -> memref<!tpu.dma_semaphore, #tpu.memory_space<semaphore_mem>>
    %dma_wait3A_203 = arith.constant 0 : i32
    %dma_wait3A_204 = tpu.memref_slice %arg6[%add3A_192, %dma_wait3A_203] : memref<16384x6656xf32, #tpu.memory_space<hbm>> -> memref<4x6656xf32, #tpu.memory_space<hbm>>
    %dma_wait3A_205 = arith.constant 0 : i32
    %dma_wait3A_206 = arith.constant 0 : i32
    %dma_wait3A_207 = tpu.memref_slice %arg7[%dma_wait3A_193, %dma_wait3A_205, %dma_wait3A_206] : memref<4x4x6656xf32, #tpu.memory_space<vmem>> -> memref<1x4x6656xf32, #tpu.memory_space<vmem>>
    %dma_wait3A_208 = tpu.memref_squeeze %dma_wait3A_207 : memref<1x4x6656xf32, #tpu.memory_space<vmem>> -> memref<4x6656xf32, #tpu.memory_space<vmem>>
    tpu.wait_dma2 semaphore(%dma_wait3A_202 : memref<!tpu.dma_semaphore, #tpu.memory_space<semaphore_mem>>) src(%dma_wait3A_208 : memref<4x6656xf32, #tpu.memory_space<vmem>>) dst(%dma_wait3A_204 : memref<4x6656xf32, #tpu.memory_space<hbm>>)
    return
  }
}

</mosaic_0001>

<sc_bundles>
// kernel: kernel.3.cloned.1.call-start
scs
__scs_entry_jumppad:
0x0: {  	(pc) =	sbr.rel $0x88, $3  }
0x1: {  	(tag) =	ssettag $0x0;
	lr =	simm.s32 $0x1  }
0x2: {  	[smem:$0x3F9D] =	sst lr;
	_ =	strace $0xD0000000  }
0x3: {  	_ = 	snop  }
0x4: {  	_ = 	snop  }
0x5: {  	_ = 	snop  }
0x6: {  	_ = 	snop  }
0x7: {  	_ = 	snop  }
__scs_overlays_trampoline_lowered:
0x8: {  	[smem:$0x3FAC] =	sst s0  }
0x9: {  	[smem:$0x3FAD] =	sst s1  }
0xa: {  	[smem:$0x3FAE] =	sst s2  }
0xb: {  	[smem:$0x3FAF] =	sst s3  }
0xc: {  	[smem:$0x3FB0] =	sst s4  }
0xd: {  	[smem:$0x3FB1] =	sst s5  }
0xe: {  	[smem:$0x3FB2] =	sst s6  }
0xf: {  	[smem:$0x3FB3] =	sst s7  }
0x10: {  	[smem:$0x3FB4] =	sst s8  }
0x11: {  	[smem:$0x3FB5] =	sst s9;
	s0 =	simm.s32 @!p0 $0x0  }
0x12: {  	s1 =	sld [smem:$0x3F9B];
	s0 =	simm.s32 @p0 $0x1  }
0x13: {  	[smem:$0x3FB6] =	sst s0;
	s0 =	simm.s32 @!p1 $0x0  }
0x14: {  	s2 =	sld [smem:$0x3F9A];
	s0 =	simm.s32 @p1 $0x1  }
0x15: {  	[smem:$0x3FB7] =	sst s0;
	s0 =	simm.s32 @!p2 $0x0  }
0x16: {  	s3 =	sld [smem:$0x3FDB];
	s0 =	simm.s32 @p2 $0x1  }
0x17: {  	s4 =	simm.s32 $0x1BF5;
	[smem:$0x3FB9] =	sst s0  }
0x18: {  	s0 =	sld [smem:$0x3F9C];
	_ =	swait.ge [sflag:s4], $0x0  }
0x19: {  	s7 =	sld [smem:$0x3F9D]  }
0x1a: {  	s8 =	sadd.s32 $0xFFFFE003, lr  }
0x1b: {  	s9 =	sadd.s32 $0xFFFFFEF7, lr;
	s5 =	simm.s32 $0xFFFFFFFF;
	p2 =	slt.u32 s8, $0xFFFFF086  }
0x1c: {  	p1 =	slt.u32 s9, $0xF7A;
	s5 =	simm.s32 @!p2 $0x0  }
0x1d: {  	s5 =	simm.s32 @p1 $0x1;
	p0 =	seq.s32 s7, s2  }
0x1e: {  	s7 =	smul.u32 @!p0 $0xF7A, s2;
	p2 =	seq.s32 @!p0 s5, $0x0  }
0x1f: {  	s9 =	smul.u32 $0xF7A, s1;
	s8 =	simm.s32 @!p0 $0x1BF5;
	p2 =	por !p2, p0  }
0x20: {  	[sflag:s8] =	ssyncset.s32 @!p0 $0xFFFFF086;
	s6 =	sadd.s32 @!p0 s3, s7;
	s7 =	simm.s32 @!p0 $0x108  }
0x21: {  	s3 =	sadd.s32 s3, s9;
	s6 =	sadd.s32 @!p0 $0x88, s6;
	s7 =	simm.s32 @p2 $0x1082  }
0x22: {  	[simem:s7], [sflag:s8] =	dma.local @!p0 [hbm:s6], $0xF7A  }
0x23: {  	s9 =	sor.u32 $0xD0000000, s2;
	s6 =	simm.s32 $0x108;
	_ =	swait.ge @!p0 [sflag:s8], $0x0  }
0x24: {  	s3 =	sadd.s32 $0x88, s3;
	s6 =	simm.s32 @!p1 $0x1082;
	[sflag:s4] =	ssyncset.s32 $0xFFFFF086  }
0x25: {  	[simem:s6], [sflag:s4] =	dma.local [hbm:s3], $0xF7A  }
0x26: {  	[smem:$0x3F9D] =	sst s1;
	(tag) =	ssettag s2;
	_ =	strace s9  }
0x27: {  	s1 =	sld [smem:$0x3FAD]  }
0x28: {  	s2 =	sld [smem:$0x3FAE]  }
0x29: {  	s4 =	sld [smem:$0x3FB0]  }
0x2a: {  	p0 =	seq.s32 s5, $0x0;
	s5 =	sld [smem:$0x3FB1]  }
0x2b: {  	s6 =	sld [smem:$0x3FB2]  }
0x2c: {  	s7 =	sld [smem:$0x3FB3]  }
0x2d: {  	s3 =	simm.s32 $0x108;
	s8 =	sld [smem:$0x3FB4]  }
0x2e: {  	s3 =	simm.s32 @!p0 $0x1082;
	s9 =	sld [smem:$0x3FB5]  }
0x2f: {  	lr =	sadd.s32 s0, s3;
	s0 =	sld [smem:$0x3FAC]  }
0x30: {  	s3 =	sld [smem:$0x3FAF]  }
0x31: {  	[smem:$0x3FB8] =	sst s10  }
0x32: {  	s10 =	sld [smem:$0x3FB6];
	_ =	sdelay $0x3  }
0x33: {  	p0 =	seq.s32 s10, $0x1;
	s10 =	sld [smem:$0x3FB8];
	_ =	sdelay $0x3  }
0x34: {  	[smem:$0x3FB8] =	sst s10  }
0x35: {  	s10 =	sld [smem:$0x3FB7];
	_ =	sdelay $0x3  }
0x36: {  	p1 =	seq.s32 s10, $0x1;
	s10 =	sld [smem:$0x3FB8];
	_ =	sdelay $0x3  }
0x37: {  	[smem:$0x3FB8] =	sst s10  }
0x38: {  	s10 =	sld [smem:$0x3FB9]  }
0x39: {  	_ = 	snop;
	(pc) =	sbr.ind lr, $3  }
0x3a: {  	_ = 	snop  }
0x3b: {  	_ = 	snop  }
0x3c: {  	p2 =	seq.s32 s10, $0x1;
	s10 =	sld [smem:$0x3FB8]  }
0x3d: {  	_ =	shalt  }
0x3e: {  	_ =	shalt  }
0x3f: {  	_ =	shalt  }
0x40: {  	_ =	shalt  }
0x41: {  	_ =	shalt  }
0x42: {  	_ =	shalt  }
0x43: {  	_ =	shalt  }
0x44: {  	_ =	shalt  }
0x45: {  	_ =	shalt  }
0x46: {  	_ =	shalt  }
0x47: {  	_ =	shalt  }
0x48: {  	_ =	shalt  }
0x49: {  	_ =	shalt  }
0x4a: {  	_ =	shalt  }
0x4b: {  	_ =	shalt  }
0x4c: {  	_ =	shalt  }
0x4d: {  	_ =	shalt  }
0x4e: {  	_ =	shalt  }
0x4f: {  	_ =	shalt  }
0x50: {  	_ =	shalt  }
0x51: {  	_ =	shalt  }
0x52: {  	_ =	shalt  }
0x53: {  	_ =	shalt  }
0x54: {  	_ =	shalt  }
0x55: {  	_ =	shalt  }
0x56: {  	_ =	shalt  }
0x57: {  	_ =	shalt  }
0x58: {  	_ =	shalt  }
0x59: {  	_ =	shalt  }
0x5a: {  	_ =	shalt  }
0x5b: {  	_ =	shalt  }
0x5c: {  	_ =	shalt  }
0x5d: {  	_ =	shalt  }
0x5e: {  	_ =	shalt  }
0x5f: {  	_ =	shalt  }
0x60: {  	_ =	shalt  }
0x61: {  	_ =	shalt  }
0x62: {  	_ =	shalt  }
0x63: {  	_ =	shalt  }
0x64: {  	_ =	shalt  }
0x65: {  	_ =	shalt  }
0x66: {  	_ =	shalt  }
0x67: {  	_ =	shalt  }
0x68: {  	_ =	shalt  }
0x69: {  	_ =	shalt  }
0x6a: {  	_ =	shalt  }
0x6b: {  	_ =	shalt  }
0x6c: {  	_ =	shalt  }
0x6d: {  	_ =	shalt  }
0x6e: {  	_ =	shalt  }
0x6f: {  	_ =	shalt  }
0x70: {  	_ =	shalt  }
0x71: {  	_ =	shalt  }
0x72: {  	_ =	shalt  }
0x73: {  	_ =	shalt  }
0x74: {  	_ =	shalt  }
0x75: {  	_ =	shalt  }
0x76: {  	_ =	shalt  }
0x77: {  	_ =	shalt  }
0x78: {  	_ =	shalt  }
0x79: {  	_ =	shalt  }
0x7a: {  	_ =	shalt  }
0x7b: {  	_ =	shalt  }
0x7c: {  	_ =	shalt  }
0x7d: {  	_ =	shalt  }
0x7e: {  	_ =	shalt  }
0x7f: {  	_ =	shalt  }
0x80: {  	_ =	shalt  }
0x81: {  	_ =	shalt  }
0x82: {  	_ =	shalt  }
0x83: {  	_ =	shalt  }
0x84: {  	_ =	shalt  }
0x85: {  	_ =	shalt  }
0x86: {  	_ =	shalt  }
0x87: {  	_ =	shalt  }
.Lfunc_end0:
.L_simem_size_0:
called_computation_lowered:
.L_overlay_start_0:
0x88: {  	s2 =	sld [smem:$0x3FD9]  }
0x89: {  	s3 =	sld [smem:$0x3FFE];
	_ =	sdelay $0x1  }
0x8a: {  	s1 =	srdreg.scid  }
0x8b: {  	s0 =	sand.u32 $0x1, s1  }
0x8c: {  	s18 =	sshll.u32 s0, $0xA;
	s2 =	sadd.s32 s3, s2  }
0x8d: {  	s2 =	sadd.s32 s2, s18  }
0x8e: {  	[smem:$0x3FC4] =	sst s2  }
0x8f: {  	_ = 	snop  }
0x90: {  	s2 =	sld [smem:$0x3FC9]  }
0x91: {  	s19 =	sld [smem:$0x3FC8]  }
0x92: {  	s4 =	sld [smem:$0x3FC7]  }
0x93: {  	s5 =	sld [smem:$0x3FC6]  }
0x94: {  	s6 =	sld [smem:$0x3FD0];
	(tm) =	ssettm $0x1  }
0x95: {  	s7 =	sld [smem:$0x3FFB];
	_ =	sdelay $0x3  }
0x96: {  	_ =	strace s7  }
0x97: {  	s7 =	sld [smem:$0x3FFC];
	_ =	sdelay $0x3  }
0x98: {  	_ =	strace s7  }
0x99: {  	s7 =	sld [smem:$0x3FFD];
	_ =	sdelay $0x3  }
0x9a: {  	_ =	strace s7  }
0x9b: {  	_ =	strace $0x8FFFFFFF  }
0x9c: {  	s20 =	sld [smem:$0x3FDB];
	_ =	sdelay $0x1  }
0x9d: {  	s8 =	simm.s32 $_scs_section_size  }
0x9e: {  	s9 =	simm.s32 $_size__tile_overlayer_lowered;
	s10 =	simm.s32 $_tile_overlayer_lowered  }
0x9f: {  	s23 =	simm.s32 $0x1BFF;
	s22 =	sshll.u32 s10, $0x1;
	s7 =	sadd.s32 s8, s20  }
0xa0: {  	s11 =	simm.s32 $0x0;
	s21 =	sshll.u32 s9, $0x1;
	s9 =	sadd.s32 s22, s7  }
0xa1: {  	[timem:s11], [sflag:s23] =	dma.local [hbm:s9], s21  }
0xa2: {  	_ =	swait.ge [sflag:s23], s21  }
0xa3: {  	s8 =	ssub.s32 $0x0, s21;
	[sflag:s23] =	ssyncset.done $0x0  }
0xa4: {  	[sflag:s23] =	ssyncadd.s32 s8;
	_ =	sdelay $0x1  }
0xa5: {  	s24 =	simm.s32 $0x1B8B  }
0xa6: {  	_ =	swait.ge [sflag:s24], $0x1  }
0xa7: {  	[sflag:s24] =	ssyncset.done $0x0  }
0xa8: {  	s25 =	simm.s32 $0x1B8E;
	[sflag:s24] =	ssyncadd.s32 $0xFFFFFFFF  }
0xa9: {  	s26 =	simm.s32 $execute0_lowered;
	[smem:$0x3FD2] =	sst s25  }
0xaa: {  	s8 =	sshll.u32 s26, $0x1;
	_ =	strace $0x80000046;
	[dreg:$0x1] =	wrdreg $0xFFFFFFFF  }
0xab: {  	s28 =	simm.s32 $_size_execute0_lowered;
	s7 =	sadd.s32 s7, s8;
	[dreg:$0x0] =	wrdreg $0x0  }
0xac: {  	s8 =	sshll.u32 s28, $0x1;
	[dreg:$0x2] =	wrdreg s7  }
0xad: {  	[dreg:$0x3] =	wrdreg s8  }
0xae: {  	[dreg:$0x4] =	wrdreg $0xC0  }
0xaf: {  	_ =	task [dreg:s11], $0x5FFFF  }
0xb0: {  	[dreg:$0x1] =	wrdreg $0xFFFFFFFF  }
0xb1: {  	[dreg:$0x0] =	wrdreg $0x60  }
0xb2: {  	[dreg:$0x2] =	wrdreg s2  }
0xb3: {  	[dreg:$0x3] =	wrdreg s19  }
0xb4: {  	[dreg:$0x4] =	wrdreg s4  }
0xb5: {  	[dreg:$0x5] =	wrdreg s5  }
0xb6: {  	[dreg:$0x6] =	wrdreg s6  }
0xb7: {  	[dreg:$0x7] =	wrdreg $0x9  }
0xb8: {  	_ =	task.clear_ibuf [dreg:s11], $0x8FFFF;
	_ =	strace $0x90000046  }
0xb9: {  	s29 =	simm.s32 $0x9;
	_ =	strace $0x80000048  }
0xba: {  	_ =	swait.ge [sflag:s29], $0x1  }
0xbb: {  	[sflag:s29] =	ssyncadd.s32 $0xFFFFFFFF  }
0xbc: {  	_ =	strace $0x90000048  }
0xbd: {  	_ =	sfence  }
0xbe: {  	s30 =	sld [smem:$0x0];
	_ =	sdelay $0x2  }
0xbf: {  	s31 =	sshll.u32 s1, $0xD;
	s1 =	sshrl.u32 s1, $0x2  }
0xc0: {  	s3 =	sand.u32 $0x4000, s31;
	s1 =	sadd.s32 s1, s30  }
0xc1: {  	s0 =	sor.u32 s3, s0;
	s1 =	sshll.u32 s1, $0x11  }
0xc2: {  	s0 =	sor.u32 s1, s0  }
0xc3: {  	s0 =	sadd.s32 $0x8F2B, s0  }
0xc4: {  	[sflag:s0] =	ssyncadd.remote.s32 $0x1  }
0xc5: {  	_ =	sfence.sel $0xFFFF  }
0xc6: {  	[dreg:$0x0] =	wrdreg $0xFFFFFFFF;
	(pc) =	sbr.abs _section_cstart, $3  }
0xc7: {  	[dreg:$0x1] =	wrdreg $0xFFFFFFFF  }
0xc8: {  	_ =	task.clear_ibuf [dreg:s11], $0x2FFFF;
	_ =	strace $0x9FFFFFFF  }
0xc9: {  	(tm) =	ssettm $0x7FFFFFFF  }
tec
execute0_lowered:
.L_overlay_start_1:
0x0: {  	(tag) =	ssettag $0x1  }
0x1: {  	s0 =	rddreg [dreg:$0x0]  }
0x2: {  	s1 =	rddreg [dreg:$0x1]  }
0x3: {  	s3 =	rddreg [dreg:$0x2]  }
0x4: {  	s2 =	srdreg.scid;
	s5 =	rddreg [dreg:$0x3]  }
0x5: {  	s6 =	stileid.u32;
	s7 =	rddreg [dreg:$0x4];
	s14 =	simm.s32 $0x0  }
0x6: {  	s28 =	simm.s32 $0x6800;
	s4 =	sand.u32 $0x1, s2;
	s12 =	sshll.u32 s6, $0xA  }
0x7: {  	[smem:$0x7FF] =	sst s14;
	s13 =	sshll.u32 s4, $0x9;
	s4 =	ssub.s32 $0x2, s4  }
0x8: {  	_ =	strace $0x80000047;
	s6 =	sor.u32 s13, s12;
	s10 =	sshrl.u32 s4, $0x1  }
0x9: {  	s12 =	simm.s32 $0x0;
	s8 =	sshrl.u32 s6, $0x3;
	s4 =	ssub.s32 s4, s10  }
0xa: {  	s11 =	sor.u32 $0x8, s6;
	s6 =	sor.u32 $0x10, s6;
	s9 =	smul.u32 $0x680, s8  }
0xb: {  	s21 =	sshrl.u32 s11, $0x3;
	s25 =	smax.u32 s4, $0x1;
	s8 =	smul.u32 $0x1A00, s8  }
0xc: {  	s6 =	sshrl.u32 s6, $0x3;
	s4 =	simm.s32 $0x13800;
	s11 =	smul.u32 $0x1A00, s21  }
0xd: {  	[dreg:$0xe] =	wrdreg s25;
	s26 =	smul.u32 $0x680, s21;
	s15 =	sadd.s32 s0, s9  }
0xe: {  	s6 =	smul.u32 $0x680, s6;
	s16 =	sadd.s32 s1, s9;
	[dreg:$0x6] =	wrdreg s15  }
0xf: {  	s25 =	simm.s32 $0x10400;
	s17 =	sadd.s32 s3, s9;
	[dreg:$0x7] =	wrdreg s16  }
0x10: {  	s18 =	sor.u32 $0x40, s9;
	s19 =	sadd.s32 s5, s9;
	[dreg:$0x8] =	wrdreg s17  }
0x11: {  	s9 =	simm.s32 $0x4;
	[dreg:$0x9] =	wrdreg s19;
	s20 =	sadd.s32 s0, s18  }
0x12: {  	s22 =	sadd.s32 s1, s18;
	s23 =	sadd.s32 s3, s18;
	s24 =	sadd.s32 s5, s18  }
0x13: {  	s29 =	sadd.s32 s11, s7;
	s13 =	sadd.s32 s26, s0;
	s14 =	sadd.s32 s26, s1  }
0x14: {  	s7 =	sadd.s32 s8, s7;
	s15 =	sadd.s32 s26, s3;
	s16 =	sadd.s32 s26, s5  }
0x15: {  	s18 =	sadd.s32 s6, s0;
	s19 =	sadd.s32 s6, s1;
	s21 =	sadd.s32 s6, s5  }
0x16: {  	s1 =	simm.s32 $0x1;
	s0 =	simm.s32 $0xD000;
	[dreg:$0xa] =	wrdreg s20  }
0x17: {  	s26 =	simm.s32 $0x11E00;
	s5 =	simm.s32 $0x15200;
	[dreg:$0xb] =	wrdreg s22  }
.Ltmp0:
0x18: {  	s8 =	simm.s32 $0x3;
	[dreg:$0xc] =	wrdreg s23;
	(pc) =	sbr.rel .LBB2_1-.Ltmp0, $4  }
0x19: {  	s11 =	simm.s32 $0x6;
	[dreg:$0xd] =	wrdreg s24;
	s30 =	sadd.s32 $0x40, s29  }
0x1a: {  	s31 =	sadd.s32 $0x40, s7;
	s20 =	sadd.s32 s6, s3;
	s22 =	simm.s32 $0x200  }
0x1b: {  	s23 =	simm.s32 $0x400;
	s3 =	simm.s32 $0x2;
	[dreg:$0xf] =	wrdreg s30  }
0x1c: {  	s6 =	simm.s32 $0x16C00;
	s7 =	simm.s32 $0x18600;
	[dreg:$0x10] =	wrdreg s31  }
.LBB2_4:
0x1d: {  	s2 =	simm.s32 $0x5  }
0x1e: {  	_ =	swait.ge [sflag:s2], $0x6800  }
0x1f: {  	[sflag:s2] =	ssyncset.done $0x0  }
0x20: {  	[sflag:s2] =	ssyncadd.s32 $0xFFFF9800  }
0x21: {  	_ =	swait.ge [sflag:s11], $0x6800  }
0x22: {  	[sflag:s11] =	ssyncset.done $0x0  }
0x23: {  	s30 =	simm.s32 $0x7;
	[sflag:s11] =	ssyncadd.s32 $0xFFFF9800  }
0x24: {  	_ =	swait.ge [sflag:s30], $0x6800  }
0x25: {  	[sflag:s30] =	ssyncset.done $0x0  }
0x26: {  	s10 =	simm.s32 $0x8;
	[sflag:s30] =	ssyncadd.s32 $0xFFFF9800  }
0x27: {  	_ =	swait.ge [sflag:s10], $0x6800  }
0x28: {  	s12 =	rddreg [dreg:$0x11]  }
0x29: {  	s31 =	rddreg [dreg:$0xe];
	s12 =	sadd.s32 $0x1, s12  }
0x2a: {  	p0 =	sne.s32 s12, s31  }
.Ltmp1:
0x2b: {  	_ = 	snop;
	(pc) =	sbr.rel @!p0 .LBB2_5-.Ltmp1, $3  }
0x2c: {  	_ =	sdelay $0x1  }
0x2d: {  	[sflag:s10] =	ssyncset.done $0x0  }
0x2e: {  	[sflag:s10] =	ssyncadd.s32 $0xFFFF9800  }
.LBB2_1:
0x2f: {  	[dreg:$0x11] =	wrdreg s12  }
0x30: {  	s10 =	rddreg [dreg:$0x6]  }
0x31: {  	s12 =	rddreg [dreg:$0x7]  }
0x32: {  	s2 =	simm.s32 $0x0;
	s24 =	rddreg [dreg:$0x8]  }
0x33: {  	[tilespmem:s2], [sflag:$0x1] =	stream.strided.gather [hbm4b:s10+s22], $0x1A00, s23, s22, $0x38;
	[tilespmem:$0x1A000] =	vst v63  }
0x34: {  	s17 =	simm.s32 $0x1A00;
	s30 =	rddreg [dreg:$0x9]  }
0x35: {  	[tilespmem:s17], [sflag:$0x1] =	stream.strided.gather [hbm4b:s12+s22], $0x1A00, s23, s22, $0x38;
	[tilespmem:$0x1A000] =	vst v63  }
0x36: {  	s29 =	simm.s32 $0x3400;
	s10 =	rddreg [dreg:$0xa]  }
0x37: {  	[tilespmem:s29], [sflag:$0x1] =	stream.strided.gather [hbm4b:s24+s22], $0x1A00, s23, s22, $0x38;
	[tilespmem:$0x1A000] =	vst v63  }
0x38: {  	s31 =	simm.s32 $0x4E00;
	s12 =	rddreg [dreg:$0xb]  }
0x39: {  	[tilespmem:s31], [sflag:$0x1] =	stream.strided.gather [hbm4b:s30+s22], $0x1A00, s23, s22, $0x38;
	[tilespmem:$0x1A000] =	vst v63  }
0x3a: {  	s24 =	rddreg [dreg:$0xc]  }
0x3b: {  	[tilespmem:s28], [sflag:$0x2] =	stream.strided.gather [hbm4b:s10+s22], $0x1A00, s23, s22, $0x38;
	[tilespmem:$0x1A000] =	vst v63  }
0x3c: {  	s17 =	simm.s32 $0x8200;
	s30 =	rddreg [dreg:$0xd]  }
0x3d: {  	[tilespmem:s17], [sflag:$0x2] =	stream.strided.gather [hbm4b:s12+s22], $0x1A00, s23, s22, $0x38;
	[tilespmem:$0x1A000] =	vst v63  }
0x3e: {  	s29 =	simm.s32 $0x9C00;
	s10 =	rddreg [dreg:$0xf]  }
0x3f: {  	[tilespmem:s29], [sflag:$0x2] =	stream.strided.gather [hbm4b:s24+s22], $0x1A00, s23, s22, $0x38;
	[tilespmem:$0x1A000] =	vst v63  }
0x40: {  	s31 =	simm.s32 $0xB600;
	s12 =	rddreg [dreg:$0x10];
	s17 =	simm.s32 $0x0  }
0x41: {  	[tilespmem:s31], [sflag:$0x2] =	stream.strided.gather [hbm4b:s30+s22], $0x1A00, s23, s22, $0x38;
	[tilespmem:$0x1A000] =	vst v63  }
.LBB2_2:
0x42: {  	_ =	swait.ge [sflag:s1], $0x1A00  }
0x43: {  	[sflag:s1] =	ssyncset.done $0x0  }
0x44: {  	[sflag:s1] =	ssyncadd.s32 $0xFFFFE600  }
0x45: {  	_ =	swait.ge [sflag:s1], $0x1A00  }
0x46: {  	[sflag:s1] =	ssyncset.done $0x0  }
0x47: {  	[sflag:s1] =	ssyncadd.s32 $0xFFFFE600  }
0x48: {  	_ =	swait.ge [sflag:s1], $0x1A00  }
0x49: {  	[sflag:s1] =	ssyncset.done $0x0  }
0x4a: {  	[sflag:s1] =	ssyncadd.s32 $0xFFFFE600  }
0x4b: {  	_ =	swait.ge [sflag:s1], $0x1A00  }
0x4c: {  	s2 =	sadd.s32 $0xFFFFFFC0, s12;
	[sflag:s1] =	ssyncset.done $0x0  }
0x4d: {  	s24 =	simm.s32 $0x0;
	p0 =	seq.s32 s17, $0x0;
	[sflag:s1] =	ssyncadd.s32 $0xFFFFE600  }
0x4e: {  	[hbm4b:s2+s22] =	stream.strided.scatter [tilespmem:s24], [sflag:$0x5], $0x6800, s23, s22, $0x38;
	[tilespmem:$0x1A000] =	vst v63  }
0x4f: {  	s2 =	simm.s32 @!p0 $0x7  }
0x50: {  	_ =	swait.ge @!p0 [sflag:s2], $0x6800  }
0x51: {  	[sflag:s2] =	ssyncset.done @!p0 $0x0  }
0x52: {  	[sflag:s2] =	ssyncadd.s32 @!p0 $0xFFFF9800;
	s2 =	sadd.s32 s17, s13  }
0x53: {  	[tilespmem:s0], [sflag:$0x3] =	stream.strided.gather [hbm4b:s2+s22], $0x1A00, s23, s22, $0x38;
	[tilespmem:$0x1A000] =	vst v63  }
0x54: {  	s29 =	sadd.s32 s17, s14;
	s31 =	simm.s32 $0xEA00  }
0x55: {  	[tilespmem:s31], [sflag:$0x3] =	stream.strided.gather [hbm4b:s29+s22], $0x1A00, s23, s22, $0x38;
	[tilespmem:$0x1A000] =	vst v63  }
0x56: {  	s30 =	sadd.s32 s17, s15  }
0x57: {  	[tilespmem:s25], [sflag:$0x3] =	stream.strided.gather [hbm4b:s30+s22], $0x1A00, s23, s22, $0x38;
	[tilespmem:$0x1A000] =	vst v63  }
0x58: {  	s31 =	sadd.s32 s17, s16  }
0x59: {  	[tilespmem:s26], [sflag:$0x3] =	stream.strided.gather [hbm4b:s31+s22], $0x1A00, s23, s22, $0x38;
	[tilespmem:$0x1A000] =	vst v63  }
0x5a: {  	_ =	swait.ge [sflag:s3], $0x1A00  }
0x5b: {  	[sflag:s3] =	ssyncset.done $0x0  }
0x5c: {  	[sflag:s3] =	ssyncadd.s32 $0xFFFFE600  }
0x5d: {  	_ =	swait.ge [sflag:s3], $0x1A00  }
0x5e: {  	[sflag:s3] =	ssyncset.done $0x0  }
0x5f: {  	[sflag:s3] =	ssyncadd.s32 $0xFFFFE600  }
0x60: {  	_ =	swait.ge [sflag:s3], $0x1A00  }
0x61: {  	[sflag:s3] =	ssyncset.done $0x0  }
0x62: {  	[sflag:s3] =	ssyncadd.s32 $0xFFFFE600  }
0x63: {  	_ =	swait.ge [sflag:s3], $0x1A00  }
0x64: {  	[sflag:s3] =	ssyncset.done $0x0  }
0x65: {  	s24 =	simm.s32 @!p0 $0x8;
	[sflag:s3] =	ssyncadd.s32 $0xFFFFE600  }
0x66: {  	[hbm4b:s12+s22] =	stream.strided.scatter [tilespmem:s28], [sflag:$0x6], $0x6800, s23, s22, $0x38;
	[tilespmem:$0x1A000] =	vst v63  }
0x67: {  	_ =	swait.ge @!p0 [sflag:s24], $0x6800  }
0x68: {  	[sflag:s24] =	ssyncset.done @!p0 $0x0  }
0x69: {  	s2 =	sadd.s32 $0x40, s2;
	[sflag:s24] =	ssyncadd.s32 @!p0 $0xFFFF9800  }
0x6a: {  	[tilespmem:s4], [sflag:$0x4] =	stream.strided.gather [hbm4b:s2+s22], $0x1A00, s23, s22, $0x38;
	[tilespmem:$0x1A000] =	vst v63  }
0x6b: {  	s24 =	sadd.s32 $0x40, s29  }
0x6c: {  	[tilespmem:s5], [sflag:$0x4] =	stream.strided.gather [hbm4b:s24+s22], $0x1A00, s23, s22, $0x38;
	[tilespmem:$0x1A000] =	vst v63  }
0x6d: {  	s29 =	sadd.s32 $0x40, s30  }
0x6e: {  	[tilespmem:s6], [sflag:$0x4] =	stream.strided.gather [hbm4b:s29+s22], $0x1A00, s23, s22, $0x38;
	[tilespmem:$0x1A000] =	vst v63  }
0x6f: {  	s30 =	sadd.s32 $0x40, s31  }
0x70: {  	[tilespmem:s7], [sflag:$0x4] =	stream.strided.gather [hbm4b:s30+s22], $0x1A00, s23, s22, $0x38;
	[tilespmem:$0x1A000] =	vst v63  }
0x71: {  	_ =	swait.ge [sflag:s8], $0x1A00  }
0x72: {  	[sflag:s8] =	ssyncset.done $0x0  }
0x73: {  	[sflag:s8] =	ssyncadd.s32 $0xFFFFE600  }
0x74: {  	_ =	swait.ge [sflag:s8], $0x1A00  }
0x75: {  	[sflag:s8] =	ssyncset.done $0x0  }
0x76: {  	[sflag:s8] =	ssyncadd.s32 $0xFFFFE600  }
0x77: {  	_ =	swait.ge [sflag:s8], $0x1A00  }
0x78: {  	[sflag:s8] =	ssyncset.done $0x0  }
0x79: {  	[sflag:s8] =	ssyncadd.s32 $0xFFFFE600  }
0x7a: {  	_ =	swait.ge [sflag:s8], $0x1A00  }
0x7b: {  	p0 =	seq.s32 s17, $0x19300;
	[sflag:s8] =	ssyncset.done $0x0  }
0x7c: {  	s31 =	sadd.s32 $0xFFFFFFC0, s10;
	s2 =	simm.s32 @!p0 $0x5;
	[sflag:s8] =	ssyncadd.s32 $0xFFFFE600  }
0x7d: {  	[hbm4b:s31+s22] =	stream.strided.scatter [tilespmem:s0], [sflag:$0x7], $0x6800, s23, s22, $0x38;
	[tilespmem:$0x1A000] =	vst v63  }
0x7e: {  	_ =	swait.ge @!p0 [sflag:s2], $0x6800  }
0x7f: {  	s24 =	simm.s32 @!p0 $0x200;
	s29 =	simm.s32 @!p0 $0x400;
	[sflag:s2] =	ssyncset.done @!p0 $0x0  }
0x80: {  	s30 =	simm.s32 @!p0 $0x0;
	[sflag:s2] =	ssyncadd.s32 @!p0 $0xFFFF9800;
	s2 =	sadd.s32 @!p0 s17, s18  }
0x81: {  	[tilespmem:s30], [sflag:$0x1] =	stream.strided.gather @!p0 [hbm4b:s2+s24], $0x1A00, s29, s24, $0x38;
	[tilespmem:$0x1A000] =	vst v63  }
0x82: {  	s2 =	sadd.s32 @!p0 s17, s19;
	s30 =	simm.s32 @!p0 $0x1A00  }
0x83: {  	[tilespmem:s30], [sflag:$0x1] =	stream.strided.gather @!p0 [hbm4b:s2+s24], $0x1A00, s29, s24, $0x38;
	[tilespmem:$0x1A000] =	vst v63  }
0x84: {  	s2 =	sadd.s32 @!p0 s17, s20;
	s30 =	simm.s32 @!p0 $0x3400  }
0x85: {  	[tilespmem:s30], [sflag:$0x1] =	stream.strided.gather @!p0 [hbm4b:s2+s24], $0x1A00, s29, s24, $0x38;
	[tilespmem:$0x1A000] =	vst v63  }
0x86: {  	s2 =	sadd.s32 @!p0 s17, s21;
	s30 =	simm.s32 @!p0 $0x4E00  }
0x87: {  	[tilespmem:s30], [sflag:$0x1] =	stream.strided.gather @!p0 [hbm4b:s2+s24], $0x1A00, s29, s24, $0x38;
	[tilespmem:$0x1A000] =	vst v63  }
0x88: {  	_ =	swait.ge [sflag:s9], $0x1A00  }
0x89: {  	[sflag:s9] =	ssyncset.done $0x0  }
0x8a: {  	[sflag:s9] =	ssyncadd.s32 $0xFFFFE600  }
0x8b: {  	_ =	swait.ge [sflag:s9], $0x1A00  }
0x8c: {  	[sflag:s9] =	ssyncset.done $0x0  }
0x8d: {  	[sflag:s9] =	ssyncadd.s32 $0xFFFFE600  }
0x8e: {  	_ =	swait.ge [sflag:s9], $0x1A00  }
0x8f: {  	[sflag:s9] =	ssyncset.done $0x0  }
.Ltmp2:
0x90: {  	[sflag:s9] =	ssyncadd.s32 $0xFFFFE600;
	(pc) =	sbr.rel @p0 .LBB2_4-.Ltmp2, $4  }
0x91: {  	_ =	swait.ge [sflag:s9], $0x1A00  }
0x92: {  	[sflag:s9] =	ssyncset.done $0x0  }
0x93: {  	[sflag:s9] =	ssyncadd.s32 $0xFFFFE600  }
0x94: {  	[hbm4b:s10+s22] =	stream.strided.scatter [tilespmem:s4], [sflag:$0x8], $0x6800, s23, s22, $0x38;
	[tilespmem:$0x1A000] =	vst v63  }
0x95: {  	_ =	swait.ge [sflag:s11], $0x6800  }
0x96: {  	s2 =	sadd.s32 s17, s18;
	[sflag:s11] =	ssyncset.done $0x0  }
0x97: {  	s31 =	sadd.s32 s17, s19;
	s2 =	sadd.s32 $0x40, s2;
	[sflag:s11] =	ssyncadd.s32 $0xFFFF9800  }
0x98: {  	[tilespmem:s28], [sflag:$0x2] =	stream.strided.gather [hbm4b:s2+s22], $0x1A00, s23, s22, $0x38;
	[tilespmem:$0x1A000] =	vst v63  }
0x99: {  	s24 =	simm.s32 $0x8200;
	s29 =	simm.s32 $0x9C00;
	s2 =	sadd.s32 $0x40, s31  }
0x9a: {  	[tilespmem:s24], [sflag:$0x2] =	stream.strided.gather [hbm4b:s2+s22], $0x1A00, s23, s22, $0x38;
	[tilespmem:$0x1A000] =	vst v63  }
.Ltmp3:
0x9b: {  	s30 =	sadd.s32 s17, s21;
	s24 =	sadd.s32 s17, s20;
	(pc) =	sbr.rel .LBB2_2-.Ltmp3, $4  }
0x9c: {  	s10 =	sadd.s32 $0x3400, s10;
	s12 =	sadd.s32 $0x3400, s12;
	s2 =	sadd.s32 $0x40, s24  }
0x9d: {  	[tilespmem:s29], [sflag:$0x2] =	stream.strided.gather [hbm4b:s2+s22], $0x1A00, s23, s22, $0x38;
	[tilespmem:$0x1A000] =	vst v63  }
0x9e: {  	s31 =	simm.s32 $0xB600;
	s17 =	sadd.s32 $0xD00, s17;
	s2 =	sadd.s32 $0x40, s30  }
0x9f: {  	[tilespmem:s31], [sflag:$0x2] =	stream.strided.gather [hbm4b:s2+s22], $0x1A00, s23, s22, $0x38;
	[tilespmem:$0x1A000] =	vst v63  }
.LBB2_5:
0xa0: {  	_ =	sfence.sel $0x180000  }
0xa1: {  	[bflag:$0x0] =	sbarrier.arrive $0xFFFF  }
0xa2: {  	_ =	strace $0x90000047  }
0xa3: {  	s0 =	stileid.u32;
	[bflag:$0x2] =	sbarrier.arrive $0xFFFF  }
0xa4: {  	p0 =	sne.s32 s0, $0x0;
	s0 =	rddreg [dreg:$0x5]  }
0xa5: {  	s0 =	sadd.s32 @!p0 $0x100000, s0  }
0xa6: {  	[sflag:s0] =	ssyncadd.tile.s32 @!p0 $0x1;
	_ =	shalt  }
.Lfunc_end2:
_tile_overlayer_lowered:
.L_overlay_start_2:
0xa7: {  	(tag) =	ssettag $0x2  }
0xa8: {  	s0 =	rddreg [dreg:$0x0];
	s2 =	stileid.u32  }
0xa9: {  	s1 =	rddreg [dreg:$0x1];
	p0 =	sne.s32 s2, $0x0  }
0xaa: {  	s3 =	rddreg [dreg:$0x2];
	[bflag:$0x3] =	sbarrier.arrive $0xFFFF;
	s2 =	simm.s32 @!p0 $0x1C09  }
0xab: {  	[timem:s3], [sflag:s2] =	dma.local @!p0 [hbm:s0], s1  }
0xac: {  	s0 =	simm.s32 @!p0 $0x9  }
0xad: {  	_ =	swait.ge @!p0 [sflag:s0], s1  }
0xae: {  	s1 =	ssub.s32 @!p0 $0x0, s1;
	[sflag:s0] =	ssyncset.done @!p0 $0x0  }
0xaf: {  	[sflag:s0] =	ssyncadd.s32 @!p0 s1  }
0xb0: {  	[bflag:$0x3] =	sbarrier.arrive $0xFFFF  }
0xb1: {  	_ =	shalt  }

</sc_bundles>
